<compile_context>
chip_gen: v7x
topology: tpu7x:2x2x1
jax: 0.10.2.dev20260603
libtpu: 0.0.44.dev20260713+nightly
codegen_flags: <defaults>
</compile_context>

<pallas_src>
import functools

import jax
import jax.numpy as jnp
from jax import lax
from jax.experimental import pallas as pl
from jax.experimental.pallas import tpu as pltpu
from jax.experimental.pallas import tpu_sc as plsc

B = 16384
NUM_FIELDS = 26
VOCAB = 100000
EMBED_DIM = 16
DENSE_DIM = 13
X0_DIM = 432
N_LOOKUPS = B * NUM_FIELDS

NC = 2
NS = 16
NW = NC * NS
PER_W = N_LOOKUPS // NW
CHUNK = 128
CHUNKS = PER_W // CHUNK
G = 8
STEPS = CHUNKS // G



def _gather_body(idx_hbm, table_hbm, out_hbm, idx_v, rows_v, sem):
    wid = lax.axis_index("s") * NC + lax.axis_index("c")
    pltpu.sync_copy(idx_hbm.at[wid], idx_v)
    base = wid * PER_W

    def step(t, carry):
        cps = []
        for g in range(G):
            cps.append(pltpu.async_copy(
                table_hbm.at[idx_v.at[t * G + g]],
                rows_v.at[pl.ds(g * CHUNK, CHUNK)],
                sem))
        for cp in cps:
            cp.wait()
        pltpu.sync_copy(rows_v, out_hbm.at[pl.ds(base + t * (G * CHUNK), G * CHUNK)])
        return carry

    lax.fori_loop(0, STEPS, step, 0)


def _sc_gather(idx3, table):
    k = functools.partial(
        pl.kernel,
        mesh=plsc.VectorSubcoreMesh(core_axis_name="c", subcore_axis_name="s"),
        out_type=jax.ShapeDtypeStruct((N_LOOKUPS, EMBED_DIM), jnp.float32),
        scratch_types=[
            pltpu.VMEM((CHUNKS, CHUNK), jnp.int32),
            pltpu.VMEM((G * CHUNK, EMBED_DIM), jnp.float32),
            pltpu.SemaphoreType.DMA,
        ],
        compiler_params=pltpu.CompilerParams(use_tc_tiling_on_sc=False),
    )(_gather_body)
    return k(idx3, table)



N_ROWS = NUM_FIELDS * VOCAB
TW = 65536
TBLK = pl.cdiv(N_ROWS, TW)
TC_ = TW // 8
PAD_PACKED = TBLK * TC_
PAD_ROWS = PAD_PACKED * 8


def _tr_body(in_ref, out_ref):
    c = TW // 8
    base = jax.lax.broadcasted_iota(jnp.int32, (EMBED_DIM, 8 * EMBED_DIM), 1)
    row = jax.lax.broadcasted_iota(jnp.int32, (EMBED_DIM, 8 * EMBED_DIM), 0)
    acc = None
    for s in range(8):
        sel = (base == row + EMBED_DIM * s).astype(jnp.bfloat16)
        z = lax.dot_general(in_ref[:, s * c:(s + 1) * c].astype(jnp.bfloat16),
                            sel, (((0,), (0,)), ((), ())),
                            preferred_element_type=jnp.float32)
        acc = z if acc is None else acc + z
    out_ref[...] = acc


def _transpose_call(emb_t):
    return pl.pallas_call(
        _tr_body,
        grid=(TBLK,),
        in_specs=[pl.BlockSpec((16, TW), lambda i: (0, i))],
        out_specs=pl.BlockSpec((TC_, 8 * EMBED_DIM), lambda i: (i, 0)),
        out_shape=jax.ShapeDtypeStruct((PAD_PACKED, 8 * EMBED_DIM), jnp.float32),
    )(emb_t)



TILE = 1024


def _dense_body(dense_ref, emb_ref, bw0, bb0, bw1, bb1, bw2, bb2,
                v_ref, u_ref, cb_ref, tw0, tb0, tw1, tb1, tw2, tb2, out_ref):
    def dot(a, b):
        return lax.dot_general(a, b, (((1,), (0,)), ((), ())),
                               preferred_element_type=jnp.float32)

    h = jnp.maximum(dot(dense_ref[...], bw0[...]) + bb0[...], 0.0)
    h = jnp.maximum(dot(h, bw1[...]) + bb1[...], 0.0)
    h = jnp.maximum(dot(h, bw2[...]) + bb2[...], 0.0)
    x0 = jnp.concatenate([h, emb_ref[...]], axis=-1)
    xl = x0
    for i in range(3):
        proj = dot(dot(xl, v_ref[i]), u_ref[i]) + cb_ref[i]
        xl = x0 * proj + xl
    t = jnp.maximum(dot(xl, tw0[...]) + tb0[...], 0.0)
    t = jnp.maximum(dot(t, tw1[...]) + tb1[...], 0.0)
    z = dot(t, tw2[...]) + tb2[...]
    out_ref[...] = 1.0 / (1.0 + jnp.exp(-z))


def _im_tile(i):
    return (i, 0)


def _im_full(i):
    return (0, 0)


def _im_full3(i):
    return (0, 0, 0)


def _dense_call(dense, emb, bw0, bb0, bw1, bb1, bw2, bb2, v, u, cb,
                tw0, tb0, tw1, tb1, tw2, tb2):
    return pl.pallas_call(
        _dense_body,
        grid=(B // TILE,),
        in_specs=[
            pl.BlockSpec((TILE, DENSE_DIM), _im_tile),
            pl.BlockSpec((TILE, NUM_FIELDS * EMBED_DIM), _im_tile),
            pl.BlockSpec((DENSE_DIM, 512), _im_full),
            pl.BlockSpec((1, 512), _im_full),
            pl.BlockSpec((512, 256), _im_full),
            pl.BlockSpec((1, 256), _im_full),
            pl.BlockSpec((256, 16), _im_full),
            pl.BlockSpec((1, 16), _im_full),
            pl.BlockSpec((3, X0_DIM, 64), _im_full3),
            pl.BlockSpec((3, 64, X0_DIM), _im_full3),
            pl.BlockSpec((3, 1, X0_DIM), _im_full3),
            pl.BlockSpec((X0_DIM, 512), _im_full),
            pl.BlockSpec((1, 512), _im_full),
            pl.BlockSpec((512, 256), _im_full),
            pl.BlockSpec((1, 256), _im_full),
            pl.BlockSpec((256, 1), _im_full),
            pl.BlockSpec((1, 1), _im_full),
        ],
        out_specs=pl.BlockSpec((TILE, 1), _im_tile),
        out_shape=jax.ShapeDtypeStruct((B, 1), jnp.float32),
    )(dense, emb, bw0, bb0, bw1, bb1, bw2, bb2, v, u, cb,
      tw0, tb0, tw1, tb1, tw2, tb2)


def kernel(dense_features, preprocessed_sparse_features, emb_table,
           bw0, bb0, bw1, bb1, bw2, bb2,
           cross_V, cross_U, cross_b,
           tw0, tb0, tw1, tb1, tw2, tb2):
    offsets = (jnp.arange(NUM_FIELDS, dtype=jnp.int32) * VOCAB)[None, :]
    flat_idx = (preprocessed_sparse_features.astype(jnp.int32) + offsets)
    blk = flat_idx // TW
    o = flat_idx % TW
    pidx = (blk * TC_ + o % TC_) * 8 + o // TC_
    idx3 = pidx.reshape(NW, CHUNKS, CHUNK)
    emb_rm = _transpose_call(emb_table.T).reshape(PAD_ROWS, EMBED_DIM)
    emb_rows = _sc_gather(idx3, emb_rm)
    emb = emb_rows.reshape(B, NUM_FIELDS * EMBED_DIM)
    return _dense_call(
        dense_features, emb,
        bw0, bb0.reshape(1, -1), bw1, bb1.reshape(1, -1), bw2, bb2.reshape(1, -1),
        cross_V, cross_U, cross_b.reshape(3, 1, X0_DIM),
        tw0, tb0.reshape(1, -1), tw1, tb1.reshape(1, -1), tw2, tb2.reshape(1, -1))

# --- scband reference (transcript-rebuilt; emitter-appended) ---
"""Pipeline reference for scband-dlrmdcnv2-66606352826509 (READ-ONLY COPY).

The authoritative reference and input builder live on the scoring server;
editing this copy changes nothing except your own understanding.
"""

import jax, jax.numpy as jnp
import numpy as np

B = 16384
NUM_FIELDS = 26
VOCAB = 100000
EMBED_DIM = 16
DENSE_DIM = 13
BOTTOM_DIMS = [512, 256, 16]
TOP_DIMS = [512, 256, 1]
NUM_DCN_LAYERS = 3
PROJ_DIM = 64
X0_DIM = BOTTOM_DIMS[-1] + NUM_FIELDS * EMBED_DIM  # 16 + 416 = 432


def setup_inputs(seed: int = 0) -> dict:
    key = jax.random.key(seed)
    ks = [jax.random.fold_in(key, i) for i in range(40)]
    inp = {}
    inp["dense_features"] = jax.random.normal(ks[0], (B, DENSE_DIM), dtype=jnp.float32)
    inp["preprocessed_sparse_features"] = jax.random.randint(ks[1], (B, NUM_FIELDS), 0, VOCAB, dtype=jnp.int64 if jax.config.jax_enable_x64 else jnp.int32)
    # embedding tables stacked/flattened: [NUM_FIELDS * VOCAB, EMBED_DIM]
    inp["emb_table"] = jax.random.normal(ks[2], (NUM_FIELDS * VOCAB, EMBED_DIM), dtype=jnp.float32) * 0.05
    # bottom MLP
    dims = [DENSE_DIM] + BOTTOM_DIMS
    for i in range(3):
        inp[f"bw{i}"] = jax.random.normal(ks[3 + i], (dims[i], dims[i + 1]), dtype=jnp.float32) * (1.0 / np.sqrt(dims[i]))
        inp[f"bb{i}"] = jnp.zeros((dims[i + 1],), dtype=jnp.float32)
    # DCN cross layers (low-rank: W = V @ U)
    inp["cross_V"] = jax.random.normal(ks[10], (NUM_DCN_LAYERS, X0_DIM, PROJ_DIM), dtype=jnp.float32) * (1.0 / np.sqrt(X0_DIM))
    inp["cross_U"] = jax.random.normal(ks[11], (NUM_DCN_LAYERS, PROJ_DIM, X0_DIM), dtype=jnp.float32) * (1.0 / np.sqrt(PROJ_DIM))
    inp["cross_b"] = jnp.zeros((NUM_DCN_LAYERS, X0_DIM), dtype=jnp.float32)
    # top MLP
    tdims = [X0_DIM] + TOP_DIMS
    for i in range(3):
        inp[f"tw{i}"] = jax.random.normal(ks[20 + i], (tdims[i], tdims[i + 1]), dtype=jnp.float32) * (1.0 / np.sqrt(tdims[i]))
        inp[f"tb{i}"] = jnp.zeros((tdims[i + 1],), dtype=jnp.float32)
    return inp


def reference(dense_features, preprocessed_sparse_features, emb_table,
              bw0, bb0, bw1, bb1, bw2, bb2,
              cross_V, cross_U, cross_b,
              tw0, tb0, tw1, tb1, tw2, tb2):
    # bottom MLP (relu, relu, relu)
    h = jax.nn.relu(dense_features @ bw0 + bb0)
    h = jax.nn.relu(h @ bw1 + bb1)
    h = jax.nn.relu(h @ bw2 + bb2)  # [B, 16]
    # distributed embedding lookup: offset indices into flattened stacked table
    offsets = (jnp.arange(NUM_FIELDS, dtype=preprocessed_sparse_features.dtype) * VOCAB)[None, :]
    flat_idx = preprocessed_sparse_features + offsets  # [B, 26]
    emb = jnp.take(emb_table, flat_idx, axis=0)  # [B, 26, 16]
    emb = emb.reshape(emb.shape[0], NUM_FIELDS * EMBED_DIM)  # [B, 416]
    # concat dense output + sparse embeddings
    x0 = jnp.concatenate([h, emb], axis=-1)  # [B, 432]
    # DCN-v2 cross block: xl = x0 * (U(V(xl)) + b) + xl
    xl = x0
    for i in range(NUM_DCN_LAYERS):
        proj = (xl @ cross_V[i]) @ cross_U[i] + cross_b[i]
        xl = x0 * proj + xl
    # top MLP (relu, relu, sigmoid)
    t = jax.nn.relu(xl @ tw0 + tb0)
    t = jax.nn.relu(t @ tw1 + tb1)
    out = jax.nn.sigmoid(t @ tw2 + tb2)  # [B, 1]
    return out

if __name__ == "__main__":
    import jax
    _d = setup_inputs()
    print(jax.jit(kernel)(*tuple(_d.values())))

</pallas_src>

<mosaic_0001>
#map = affine_map<(d0, d1) -> (0, 0, 0)>
#map1 = affine_map<(d0, d1) -> (0, 0)>
module attributes {stable_mosaic.version = 14 : i64} {
  func.func @_gather_body(%arg0: i32, %arg1: i32, %arg2: memref<32x104x128xi32, #tpu.memory_space<hbm>>, %arg3: memref<2621440x16xf32, #tpu.memory_space<hbm>>, %arg4: memref<425984x16xf32, #tpu.memory_space<hbm>>, %arg5: memref<104x128xi32, #tpu.memory_space<vmem>>, %arg6: memref<1024x16xf32, #tpu.memory_space<vmem>>, %arg7: memref<!tpu.dma_semaphore, #tpu.memory_space<semaphore_mem>>) attributes {dimension_semantics = [#tpu.dimension_semantics<core_parallel>, #tpu.dimension_semantics<subcore_parallel>], iteration_bounds = array<i64: 2, 16>, scalar_prefetch = 0 : i64, scratch_operands = 3 : i64, tpu.core_type = #tpu.core_type<sc_vector_subcore>, window_params = [{transform_indices = #map}, {transform_indices = #map1}, {transform_indices = #map1}]} {
    %mul3A = arith.constant 2 : i32
    %mul3A_0 = arith.muli %arg1, %mul3A : i32
    %add3A = arith.addi %mul3A_0, %arg0 : i32
    "tpu.region"() ({
      %run_scoped3A = tpu.sem_alloc : memref<!tpu.dma_semaphore, #tpu.memory_space<semaphore_mem>>
      %dma_start3A = arith.constant 0 : i32
      %dma_start3A_8 = arith.constant 0 : i32
      %dma_start3A_9 = tpu.memref_slice %arg2[%add3A, %dma_start3A, %dma_start3A_8] : memref<32x104x128xi32, #tpu.memory_space<hbm>> -> memref<1x104x128xi32, #tpu.memory_space<hbm>>
      %dma_start3A_10 = tpu.memref_squeeze %dma_start3A_9 : memref<1x104x128xi32, #tpu.memory_space<hbm>> -> memref<104x128xi32, #tpu.memory_space<hbm>>
      %dma_start3A_11 = arith.constant 0 : i32
      %dma_start3A_12 = arith.constant 0 : i32
      %dma_start3A_13 = tpu.memref_slice %arg2[%add3A, %dma_start3A_11, %dma_start3A_12] : memref<32x104x128xi32, #tpu.memory_space<hbm>> -> memref<1x104x128xi32, #tpu.memory_space<hbm>>
      %dma_start3A_14 = tpu.memref_squeeze %dma_start3A_13 : memref<1x104x128xi32, #tpu.memory_space<hbm>> -> memref<104x128xi32, #tpu.memory_space<hbm>>
      tpu.enqueue_dma source(%dma_start3A_14 : memref<104x128xi32, #tpu.memory_space<hbm>>) target(%arg5 : memref<104x128xi32, #tpu.memory_space<vmem>>) target_semaphore(%run_scoped3A : memref<!tpu.dma_semaphore, #tpu.memory_space<semaphore_mem>>)
      %dma_wait3A = arith.constant 0 : i32
      %dma_wait3A_15 = arith.constant 0 : i32
      %dma_wait3A_16 = tpu.memref_slice %arg2[%add3A, %dma_wait3A, %dma_wait3A_15] : memref<32x104x128xi32, #tpu.memory_space<hbm>> -> memref<1x104x128xi32, #tpu.memory_space<hbm>>
      %dma_wait3A_17 = tpu.memref_squeeze %dma_wait3A_16 : memref<1x104x128xi32, #tpu.memory_space<hbm>> -> memref<104x128xi32, #tpu.memory_space<hbm>>
      %dma_wait3A_18 = arith.constant 0 : i32
      %dma_wait3A_19 = arith.constant 0 : i32
      %dma_wait3A_20 = tpu.memref_slice %arg2[%add3A, %dma_wait3A_18, %dma_wait3A_19] : memref<32x104x128xi32, #tpu.memory_space<hbm>> -> memref<1x104x128xi32, #tpu.memory_space<hbm>>
      %dma_wait3A_21 = tpu.memref_squeeze %dma_wait3A_20 : memref<1x104x128xi32, #tpu.memory_space<hbm>> -> memref<104x128xi32, #tpu.memory_space<hbm>>
      tpu.wait_dma2 semaphore(%run_scoped3A : memref<!tpu.dma_semaphore, #tpu.memory_space<semaphore_mem>>) src(%dma_wait3A_21 : memref<104x128xi32, #tpu.memory_space<hbm>>) dst(%arg5 : memref<104x128xi32, #tpu.memory_space<vmem>>)
      tpu.yield
    }) : () -> ()
    %mul3A_1 = arith.constant 13312 : i32
    %mul3A_2 = arith.muli %add3A, %mul3A_1 : i32
    %scan3A = arith.constant 0 : i32
    %scan3A_3 = arith.constant 0 : i32
    %scan3A_4 = arith.constant 13 : i32
    %scan3A_5 = arith.addi %scan3A_3, %scan3A_4 : i32
    %scan3A_6 = arith.constant 1 : i32
    scf.for %scan3A_8 = %scan3A_3 to %scan3A_5 step %scan3A_6  : i32 {
      %mul3A_9 = arith.constant 8 : i32
      %mul3A_10 = arith.muli %scan3A_8, %mul3A_9 : i32
      %add3A_11 = arith.constant 0 : i32
      %add3A_12 = arith.addi %mul3A_10, %add3A_11 : i32
      %dma_start3A = arith.constant 0 : i32
      %dma_start3A_13 = arith.constant 0 : i32
      %dma_start3A_14 = tpu.memref_slice %arg6[%dma_start3A, %dma_start3A_13] : memref<1024x16xf32, #tpu.memory_space<vmem>> -> memref<128x16xf32, #tpu.memory_space<vmem>>
      %dma_start3A_15 = arith.constant 0 : i32
      %dma_start3A_16 = tpu.memref_slice %arg5[%add3A_12, %dma_start3A_15] : memref<104x128xi32, #tpu.memory_space<vmem>> -> memref<1x128xi32, #tpu.memory_space<vmem>>
      %dma_start3A_17 = tpu.memref_squeeze %dma_start3A_16 : memref<1x128xi32, #tpu.memory_space<vmem>> -> memref<128xi32, #tpu.memory_space<vmem>>
      %dma_start3A_18 = arith.constant 0 : i32
      %dma_start3A_19 = arith.constant 0 : i32
      %dma_start3A_20 = tpu.memref_slice %arg3[%dma_start3A_18, %dma_start3A_19] : memref<2621440x16xf32, #tpu.memory_space<hbm>> -> memref<2621440x16xf32, #tpu.memory_space<hbm>>
      tpu.enqueue_indirect_dma source(%dma_start3A_20 : memref<2621440x16xf32, #tpu.memory_space<hbm>>) target(%dma_start3A_14 : memref<128x16xf32, #tpu.memory_space<vmem>>) offsets(%dma_start3A_17 : memref<128xi32, #tpu.memory_space<vmem>>) semaphore(%arg7 : memref<!tpu.dma_semaphore, #tpu.memory_space<semaphore_mem>>)
      %mul3A_21 = arith.constant 8 : i32
      %mul3A_22 = arith.muli %scan3A_8, %mul3A_21 : i32
      %add3A_23 = arith.constant 1 : i32
      %add3A_24 = arith.addi %mul3A_22, %add3A_23 : i32
      %dma_start3A_25 = arith.constant 128 : i32
      %dma_start3A_26 = arith.constant 0 : i32
      %dma_start3A_27 = tpu.memref_slice %arg6[%dma_start3A_25, %dma_start3A_26] : memref<1024x16xf32, #tpu.memory_space<vmem>> -> memref<128x16xf32, #tpu.memory_space<vmem>>
      %dma_start3A_28 = arith.constant 0 : i32
      %dma_start3A_29 = tpu.memref_slice %arg5[%add3A_24, %dma_start3A_28] : memref<104x128xi32, #tpu.memory_space<vmem>> -> memref<1x128xi32, #tpu.memory_space<vmem>>
      %dma_start3A_30 = tpu.memref_squeeze %dma_start3A_29 : memref<1x128xi32, #tpu.memory_space<vmem>> -> memref<128xi32, #tpu.memory_space<vmem>>
      %dma_start3A_31 = arith.constant 0 : i32
      %dma_start3A_32 = arith.constant 0 : i32
      %dma_start3A_33 = tpu.memref_slice %arg3[%dma_start3A_31, %dma_start3A_32] : memref<2621440x16xf32, #tpu.memory_space<hbm>> -> memref<2621440x16xf32, #tpu.memory_space<hbm>>
      tpu.enqueue_indirect_dma source(%dma_start3A_33 : memref<2621440x16xf32, #tpu.memory_space<hbm>>) target(%dma_start3A_27 : memref<128x16xf32, #tpu.memory_space<vmem>>) offsets(%dma_start3A_30 : memref<128xi32, #tpu.memory_space<vmem>>) semaphore(%arg7 : memref<!tpu.dma_semaphore, #tpu.memory_space<semaphore_mem>>)
      %mul3A_34 = arith.constant 8 : i32
      %mul3A_35 = arith.muli %scan3A_8, %mul3A_34 : i32
      %add3A_36 = arith.constant 2 : i32
      %add3A_37 = arith.addi %mul3A_35, %add3A_36 : i32
      %dma_start3A_38 = arith.constant 256 : i32
      %dma_start3A_39 = arith.constant 0 : i32
      %dma_start3A_40 = tpu.memref_slice %arg6[%dma_start3A_38, %dma_start3A_39] : memref<1024x16xf32, #tpu.memory_space<vmem>> -> memref<128x16xf32, #tpu.memory_space<vmem>>
      %dma_start3A_41 = arith.constant 0 : i32
      %dma_start3A_42 = tpu.memref_slice %arg5[%add3A_37, %dma_start3A_41] : memref<104x128xi32, #tpu.memory_space<vmem>> -> memref<1x128xi32, #tpu.memory_space<vmem>>
      %dma_start3A_43 = tpu.memref_squeeze %dma_start3A_42 : memref<1x128xi32, #tpu.memory_space<vmem>> -> memref<128xi32, #tpu.memory_space<vmem>>
      %dma_start3A_44 = arith.constant 0 : i32
      %dma_start3A_45 = arith.constant 0 : i32
      %dma_start3A_46 = tpu.memref_slice %arg3[%dma_start3A_44, %dma_start3A_45] : memref<2621440x16xf32, #tpu.memory_space<hbm>> -> memref<2621440x16xf32, #tpu.memory_space<hbm>>
      tpu.enqueue_indirect_dma source(%dma_start3A_46 : memref<2621440x16xf32, #tpu.memory_space<hbm>>) target(%dma_start3A_40 : memref<128x16xf32, #tpu.memory_space<vmem>>) offsets(%dma_start3A_43 : memref<128xi32, #tpu.memory_space<vmem>>) semaphore(%arg7 : memref<!tpu.dma_semaphore, #tpu.memory_space<semaphore_mem>>)
      %mul3A_47 = arith.constant 8 : i32
      %mul3A_48 = arith.muli %scan3A_8, %mul3A_47 : i32
      %add3A_49 = arith.constant 3 : i32
      %add3A_50 = arith.addi %mul3A_48, %add3A_49 : i32
      %dma_start3A_51 = arith.constant 384 : i32
      %dma_start3A_52 = arith.constant 0 : i32
      %dma_start3A_53 = tpu.memref_slice %arg6[%dma_start3A_51, %dma_start3A_52] : memref<1024x16xf32, #tpu.memory_space<vmem>> -> memref<128x16xf32, #tpu.memory_space<vmem>>
      %dma_start3A_54 = arith.constant 0 : i32
      %dma_start3A_55 = tpu.memref_slice %arg5[%add3A_50, %dma_start3A_54] : memref<104x128xi32, #tpu.memory_space<vmem>> -> memref<1x128xi32, #tpu.memory_space<vmem>>
      %dma_start3A_56 = tpu.memref_squeeze %dma_start3A_55 : memref<1x128xi32, #tpu.memory_space<vmem>> -> memref<128xi32, #tpu.memory_space<vmem>>
      %dma_start3A_57 = arith.constant 0 : i32
      %dma_start3A_58 = arith.constant 0 : i32
      %dma_start3A_59 = tpu.memref_slice %arg3[%dma_start3A_57, %dma_start3A_58] : memref<2621440x16xf32, #tpu.memory_space<hbm>> -> memref<2621440x16xf32, #tpu.memory_space<hbm>>
      tpu.enqueue_indirect_dma source(%dma_start3A_59 : memref<2621440x16xf32, #tpu.memory_space<hbm>>) target(%dma_start3A_53 : memref<128x16xf32, #tpu.memory_space<vmem>>) offsets(%dma_start3A_56 : memref<128xi32, #tpu.memory_space<vmem>>) semaphore(%arg7 : memref<!tpu.dma_semaphore, #tpu.memory_space<semaphore_mem>>)
      %mul3A_60 = arith.constant 8 : i32
      %mul3A_61 = arith.muli %scan3A_8, %mul3A_60 : i32
      %add3A_62 = arith.constant 4 : i32
      %add3A_63 = arith.addi %mul3A_61, %add3A_62 : i32
      %dma_start3A_64 = arith.constant 512 : i32
      %dma_start3A_65 = arith.constant 0 : i32
      %dma_start3A_66 = tpu.memref_slice %arg6[%dma_start3A_64, %dma_start3A_65] : memref<1024x16xf32, #tpu.memory_space<vmem>> -> memref<128x16xf32, #tpu.memory_space<vmem>>
      %dma_start3A_67 = arith.constant 0 : i32
      %dma_start3A_68 = tpu.memref_slice %arg5[%add3A_63, %dma_start3A_67] : memref<104x128xi32, #tpu.memory_space<vmem>> -> memref<1x128xi32, #tpu.memory_space<vmem>>
      %dma_start3A_69 = tpu.memref_squeeze %dma_start3A_68 : memref<1x128xi32, #tpu.memory_space<vmem>> -> memref<128xi32, #tpu.memory_space<vmem>>
      %dma_start3A_70 = arith.constant 0 : i32
      %dma_start3A_71 = arith.constant 0 : i32
      %dma_start3A_72 = tpu.memref_slice %arg3[%dma_start3A_70, %dma_start3A_71] : memref<2621440x16xf32, #tpu.memory_space<hbm>> -> memref<2621440x16xf32, #tpu.memory_space<hbm>>
      tpu.enqueue_indirect_dma source(%dma_start3A_72 : memref<2621440x16xf32, #tpu.memory_space<hbm>>) target(%dma_start3A_66 : memref<128x16xf32, #tpu.memory_space<vmem>>) offsets(%dma_start3A_69 : memref<128xi32, #tpu.memory_space<vmem>>) semaphore(%arg7 : memref<!tpu.dma_semaphore, #tpu.memory_space<semaphore_mem>>)
      %mul3A_73 = arith.constant 8 : i32
      %mul3A_74 = arith.muli %scan3A_8, %mul3A_73 : i32
      %add3A_75 = arith.constant 5 : i32
      %add3A_76 = arith.addi %mul3A_74, %add3A_75 : i32
      %dma_start3A_77 = arith.constant 640 : i32
      %dma_start3A_78 = arith.constant 0 : i32
      %dma_start3A_79 = tpu.memref_slice %arg6[%dma_start3A_77, %dma_start3A_78] : memref<1024x16xf32, #tpu.memory_space<vmem>> -> memref<128x16xf32, #tpu.memory_space<vmem>>
      %dma_start3A_80 = arith.constant 0 : i32
      %dma_start3A_81 = tpu.memref_slice %arg5[%add3A_76, %dma_start3A_80] : memref<104x128xi32, #tpu.memory_space<vmem>> -> memref<1x128xi32, #tpu.memory_space<vmem>>
      %dma_start3A_82 = tpu.memref_squeeze %dma_start3A_81 : memref<1x128xi32, #tpu.memory_space<vmem>> -> memref<128xi32, #tpu.memory_space<vmem>>
      %dma_start3A_83 = arith.constant 0 : i32
      %dma_start3A_84 = arith.constant 0 : i32
      %dma_start3A_85 = tpu.memref_slice %arg3[%dma_start3A_83, %dma_start3A_84] : memref<2621440x16xf32, #tpu.memory_space<hbm>> -> memref<2621440x16xf32, #tpu.memory_space<hbm>>
      tpu.enqueue_indirect_dma source(%dma_start3A_85 : memref<2621440x16xf32, #tpu.memory_space<hbm>>) target(%dma_start3A_79 : memref<128x16xf32, #tpu.memory_space<vmem>>) offsets(%dma_start3A_82 : memref<128xi32, #tpu.memory_space<vmem>>) semaphore(%arg7 : memref<!tpu.dma_semaphore, #tpu.memory_space<semaphore_mem>>)
      %mul3A_86 = arith.constant 8 : i32
      %mul3A_87 = arith.muli %scan3A_8, %mul3A_86 : i32
      %add3A_88 = arith.constant 6 : i32
      %add3A_89 = arith.addi %mul3A_87, %add3A_88 : i32
      %dma_start3A_90 = arith.constant 768 : i32
      %dma_start3A_91 = arith.constant 0 : i32
      %dma_start3A_92 = tpu.memref_slice %arg6[%dma_start3A_90, %dma_start3A_91] : memref<1024x16xf32, #tpu.memory_space<vmem>> -> memref<128x16xf32, #tpu.memory_space<vmem>>
      %dma_start3A_93 = arith.constant 0 : i32
      %dma_start3A_94 = tpu.memref_slice %arg5[%add3A_89, %dma_start3A_93] : memref<104x128xi32, #tpu.memory_space<vmem>> -> memref<1x128xi32, #tpu.memory_space<vmem>>
      %dma_start3A_95 = tpu.memref_squeeze %dma_start3A_94 : memref<1x128xi32, #tpu.memory_space<vmem>> -> memref<128xi32, #tpu.memory_space<vmem>>
      %dma_start3A_96 = arith.constant 0 : i32
      %dma_start3A_97 = arith.constant 0 : i32
      %dma_start3A_98 = tpu.memref_slice %arg3[%dma_start3A_96, %dma_start3A_97] : memref<2621440x16xf32, #tpu.memory_space<hbm>> -> memref<2621440x16xf32, #tpu.memory_space<hbm>>
      tpu.enqueue_indirect_dma source(%dma_start3A_98 : memref<2621440x16xf32, #tpu.memory_space<hbm>>) target(%dma_start3A_92 : memref<128x16xf32, #tpu.memory_space<vmem>>) offsets(%dma_start3A_95 : memref<128xi32, #tpu.memory_space<vmem>>) semaphore(%arg7 : memref<!tpu.dma_semaphore, #tpu.memory_space<semaphore_mem>>)
      %mul3A_99 = arith.constant 8 : i32
      %mul3A_100 = arith.muli %scan3A_8, %mul3A_99 : i32
      %add3A_101 = arith.constant 7 : i32
      %add3A_102 = arith.addi %mul3A_100, %add3A_101 : i32
      %dma_start3A_103 = arith.constant 896 : i32
      %dma_start3A_104 = arith.constant 0 : i32
      %dma_start3A_105 = tpu.memref_slice %arg6[%dma_start3A_103, %dma_start3A_104] : memref<1024x16xf32, #tpu.memory_space<vmem>> -> memref<128x16xf32, #tpu.memory_space<vmem>>
      %dma_start3A_106 = arith.constant 0 : i32
      %dma_start3A_107 = tpu.memref_slice %arg5[%add3A_102, %dma_start3A_106] : memref<104x128xi32, #tpu.memory_space<vmem>> -> memref<1x128xi32, #tpu.memory_space<vmem>>
      %dma_start3A_108 = tpu.memref_squeeze %dma_start3A_107 : memref<1x128xi32, #tpu.memory_space<vmem>> -> memref<128xi32, #tpu.memory_space<vmem>>
      %dma_start3A_109 = arith.constant 0 : i32
      %dma_start3A_110 = arith.constant 0 : i32
      %dma_start3A_111 = tpu.memref_slice %arg3[%dma_start3A_109, %dma_start3A_110] : memref<2621440x16xf32, #tpu.memory_space<hbm>> -> memref<2621440x16xf32, #tpu.memory_space<hbm>>
      tpu.enqueue_indirect_dma source(%dma_start3A_111 : memref<2621440x16xf32, #tpu.memory_space<hbm>>) target(%dma_start3A_105 : memref<128x16xf32, #tpu.memory_space<vmem>>) offsets(%dma_start3A_108 : memref<128xi32, #tpu.memory_space<vmem>>) semaphore(%arg7 : memref<!tpu.dma_semaphore, #tpu.memory_space<semaphore_mem>>)
      %dma_wait3A = arith.constant 0 : i32
      %dma_wait3A_112 = arith.constant 0 : i32
      %dma_wait3A_113 = tpu.memref_slice %arg6[%dma_wait3A, %dma_wait3A_112] : memref<1024x16xf32, #tpu.memory_space<vmem>> -> memref<128x16xf32, #tpu.memory_space<vmem>>
      %dma_wait3A_114 = arith.constant 0 : i32
      %dma_wait3A_115 = tpu.memref_slice %arg5[%add3A_12, %dma_wait3A_114] : memref<104x128xi32, #tpu.memory_space<vmem>> -> memref<1x128xi32, #tpu.memory_space<vmem>>
      %dma_wait3A_116 = tpu.memref_squeeze %dma_wait3A_115 : memref<1x128xi32, #tpu.memory_space<vmem>> -> memref<128xi32, #tpu.memory_space<vmem>>
      %dma_wait3A_117 = arith.constant 0 : i32
      %dma_wait3A_118 = arith.constant 0 : i32
      %dma_wait3A_119 = tpu.memref_slice %arg3[%dma_wait3A_117, %dma_wait3A_118] : memref<2621440x16xf32, #tpu.memory_space<hbm>> -> memref<2621440x16xf32, #tpu.memory_space<hbm>>
      tpu.wait_indirect_dma semaphore(%arg7 : memref<!tpu.dma_semaphore, #tpu.memory_space<semaphore_mem>>) src(%dma_wait3A_119 : memref<2621440x16xf32, #tpu.memory_space<hbm>>) dst(%dma_wait3A_113 : memref<128x16xf32, #tpu.memory_space<vmem>>)
      %dma_wait3A_120 = arith.constant 128 : i32
      %dma_wait3A_121 = arith.constant 0 : i32
      %dma_wait3A_122 = tpu.memref_slice %arg6[%dma_wait3A_120, %dma_wait3A_121] : memref<1024x16xf32, #tpu.memory_space<vmem>> -> memref<128x16xf32, #tpu.memory_space<vmem>>
      %dma_wait3A_123 = arith.constant 0 : i32
      %dma_wait3A_124 = tpu.memref_slice %arg5[%add3A_24, %dma_wait3A_123] : memref<104x128xi32, #tpu.memory_space<vmem>> -> memref<1x128xi32, #tpu.memory_space<vmem>>
      %dma_wait3A_125 = tpu.memref_squeeze %dma_wait3A_124 : memref<1x128xi32, #tpu.memory_space<vmem>> -> memref<128xi32, #tpu.memory_space<vmem>>
      %dma_wait3A_126 = arith.constant 0 : i32
      %dma_wait3A_127 = arith.constant 0 : i32
      %dma_wait3A_128 = tpu.memref_slice %arg3[%dma_wait3A_126, %dma_wait3A_127] : memref<2621440x16xf32, #tpu.memory_space<hbm>> -> memref<2621440x16xf32, #tpu.memory_space<hbm>>
      tpu.wait_indirect_dma semaphore(%arg7 : memref<!tpu.dma_semaphore, #tpu.memory_space<semaphore_mem>>) src(%dma_wait3A_128 : memref<2621440x16xf32, #tpu.memory_space<hbm>>) dst(%dma_wait3A_122 : memref<128x16xf32, #tpu.memory_space<vmem>>)
      %dma_wait3A_129 = arith.constant 256 : i32
      %dma_wait3A_130 = arith.constant 0 : i32
      %dma_wait3A_131 = tpu.memref_slice %arg6[%dma_wait3A_129, %dma_wait3A_130] : memref<1024x16xf32, #tpu.memory_space<vmem>> -> memref<128x16xf32, #tpu.memory_space<vmem>>
      %dma_wait3A_132 = arith.constant 0 : i32
      %dma_wait3A_133 = tpu.memref_slice %arg5[%add3A_37, %dma_wait3A_132] : memref<104x128xi32, #tpu.memory_space<vmem>> -> memref<1x128xi32, #tpu.memory_space<vmem>>
      %dma_wait3A_134 = tpu.memref_squeeze %dma_wait3A_133 : memref<1x128xi32, #tpu.memory_space<vmem>> -> memref<128xi32, #tpu.memory_space<vmem>>
      %dma_wait3A_135 = arith.constant 0 : i32
      %dma_wait3A_136 = arith.constant 0 : i32
      %dma_wait3A_137 = tpu.memref_slice %arg3[%dma_wait3A_135, %dma_wait3A_136] : memref<2621440x16xf32, #tpu.memory_space<hbm>> -> memref<2621440x16xf32, #tpu.memory_space<hbm>>
      tpu.wait_indirect_dma semaphore(%arg7 : memref<!tpu.dma_semaphore, #tpu.memory_space<semaphore_mem>>) src(%dma_wait3A_137 : memref<2621440x16xf32, #tpu.memory_space<hbm>>) dst(%dma_wait3A_131 : memref<128x16xf32, #tpu.memory_space<vmem>>)
      %dma_wait3A_138 = arith.constant 384 : i32
      %dma_wait3A_139 = arith.constant 0 : i32
      %dma_wait3A_140 = tpu.memref_slice %arg6[%dma_wait3A_138, %dma_wait3A_139] : memref<1024x16xf32, #tpu.memory_space<vmem>> -> memref<128x16xf32, #tpu.memory_space<vmem>>
      %dma_wait3A_141 = arith.constant 0 : i32
      %dma_wait3A_142 = tpu.memref_slice %arg5[%add3A_50, %dma_wait3A_141] : memref<104x128xi32, #tpu.memory_space<vmem>> -> memref<1x128xi32, #tpu.memory_space<vmem>>
      %dma_wait3A_143 = tpu.memref_squeeze %dma_wait3A_142 : memref<1x128xi32, #tpu.memory_space<vmem>> -> memref<128xi32, #tpu.memory_space<vmem>>
      %dma_wait3A_144 = arith.constant 0 : i32
      %dma_wait3A_145 = arith.constant 0 : i32
      %dma_wait3A_146 = tpu.memref_slice %arg3[%dma_wait3A_144, %dma_wait3A_145] : memref<2621440x16xf32, #tpu.memory_space<hbm>> -> memref<2621440x16xf32, #tpu.memory_space<hbm>>
      tpu.wait_indirect_dma semaphore(%arg7 : memref<!tpu.dma_semaphore, #tpu.memory_space<semaphore_mem>>) src(%dma_wait3A_146 : memref<2621440x16xf32, #tpu.memory_space<hbm>>) dst(%dma_wait3A_140 : memref<128x16xf32, #tpu.memory_space<vmem>>)
      %dma_wait3A_147 = arith.constant 512 : i32
      %dma_wait3A_148 = arith.constant 0 : i32
      %dma_wait3A_149 = tpu.memref_slice %arg6[%dma_wait3A_147, %dma_wait3A_148] : memref<1024x16xf32, #tpu.memory_space<vmem>> -> memref<128x16xf32, #tpu.memory_space<vmem>>
      %dma_wait3A_150 = arith.constant 0 : i32
      %dma_wait3A_151 = tpu.memref_slice %arg5[%add3A_63, %dma_wait3A_150] : memref<104x128xi32, #tpu.memory_space<vmem>> -> memref<1x128xi32, #tpu.memory_space<vmem>>
      %dma_wait3A_152 = tpu.memref_squeeze %dma_wait3A_151 : memref<1x128xi32, #tpu.memory_space<vmem>> -> memref<128xi32, #tpu.memory_space<vmem>>
      %dma_wait3A_153 = arith.constant 0 : i32
      %dma_wait3A_154 = arith.constant 0 : i32
      %dma_wait3A_155 = tpu.memref_slice %arg3[%dma_wait3A_153, %dma_wait3A_154] : memref<2621440x16xf32, #tpu.memory_space<hbm>> -> memref<2621440x16xf32, #tpu.memory_space<hbm>>
      tpu.wait_indirect_dma semaphore(%arg7 : memref<!tpu.dma_semaphore, #tpu.memory_space<semaphore_mem>>) src(%dma_wait3A_155 : memref<2621440x16xf32, #tpu.memory_space<hbm>>) dst(%dma_wait3A_149 : memref<128x16xf32, #tpu.memory_space<vmem>>)
      %dma_wait3A_156 = arith.constant 640 : i32
      %dma_wait3A_157 = arith.constant 0 : i32
      %dma_wait3A_158 = tpu.memref_slice %arg6[%dma_wait3A_156, %dma_wait3A_157] : memref<1024x16xf32, #tpu.memory_space<vmem>> -> memref<128x16xf32, #tpu.memory_space<vmem>>
      %dma_wait3A_159 = arith.constant 0 : i32
      %dma_wait3A_160 = tpu.memref_slice %arg5[%add3A_76, %dma_wait3A_159] : memref<104x128xi32, #tpu.memory_space<vmem>> -> memref<1x128xi32, #tpu.memory_space<vmem>>
      %dma_wait3A_161 = tpu.memref_squeeze %dma_wait3A_160 : memref<1x128xi32, #tpu.memory_space<vmem>> -> memref<128xi32, #tpu.memory_space<vmem>>
      %dma_wait3A_162 = arith.constant 0 : i32
      %dma_wait3A_163 = arith.constant 0 : i32
      %dma_wait3A_164 = tpu.memref_slice %arg3[%dma_wait3A_162, %dma_wait3A_163] : memref<2621440x16xf32, #tpu.memory_space<hbm>> -> memref<2621440x16xf32, #tpu.memory_space<hbm>>
      tpu.wait_indirect_dma semaphore(%arg7 : memref<!tpu.dma_semaphore, #tpu.memory_space<semaphore_mem>>) src(%dma_wait3A_164 : memref<2621440x16xf32, #tpu.memory_space<hbm>>) dst(%dma_wait3A_158 : memref<128x16xf32, #tpu.memory_space<vmem>>)
      %dma_wait3A_165 = arith.constant 768 : i32
      %dma_wait3A_166 = arith.constant 0 : i32
      %dma_wait3A_167 = tpu.memref_slice %arg6[%dma_wait3A_165, %dma_wait3A_166] : memref<1024x16xf32, #tpu.memory_space<vmem>> -> memref<128x16xf32, #tpu.memory_space<vmem>>
      %dma_wait3A_168 = arith.constant 0 : i32
      %dma_wait3A_169 = tpu.memref_slice %arg5[%add3A_89, %dma_wait3A_168] : memref<104x128xi32, #tpu.memory_space<vmem>> -> memref<1x128xi32, #tpu.memory_space<vmem>>
      %dma_wait3A_170 = tpu.memref_squeeze %dma_wait3A_169 : memref<1x128xi32, #tpu.memory_space<vmem>> -> memref<128xi32, #tpu.memory_space<vmem>>
      %dma_wait3A_171 = arith.constant 0 : i32
      %dma_wait3A_172 = arith.constant 0 : i32
      %dma_wait3A_173 = tpu.memref_slice %arg3[%dma_wait3A_171, %dma_wait3A_172] : memref<2621440x16xf32, #tpu.memory_space<hbm>> -> memref<2621440x16xf32, #tpu.memory_space<hbm>>
      tpu.wait_indirect_dma semaphore(%arg7 : memref<!tpu.dma_semaphore, #tpu.memory_space<semaphore_mem>>) src(%dma_wait3A_173 : memref<2621440x16xf32, #tpu.memory_space<hbm>>) dst(%dma_wait3A_167 : memref<128x16xf32, #tpu.memory_space<vmem>>)
      %dma_wait3A_174 = arith.constant 896 : i32
      %dma_wait3A_175 = arith.constant 0 : i32
      %dma_wait3A_176 = tpu.memref_slice %arg6[%dma_wait3A_174, %dma_wait3A_175] : memref<1024x16xf32, #tpu.memory_space<vmem>> -> memref<128x16xf32, #tpu.memory_space<vmem>>
      %dma_wait3A_177 = arith.constant 0 : i32
      %dma_wait3A_178 = tpu.memref_slice %arg5[%add3A_102, %dma_wait3A_177] : memref<104x128xi32, #tpu.memory_space<vmem>> -> memref<1x128xi32, #tpu.memory_space<vmem>>
      %dma_wait3A_179 = tpu.memref_squeeze %dma_wait3A_178 : memref<1x128xi32, #tpu.memory_space<vmem>> -> memref<128xi32, #tpu.memory_space<vmem>>
      %dma_wait3A_180 = arith.constant 0 : i32
      %dma_wait3A_181 = arith.constant 0 : i32
      %dma_wait3A_182 = tpu.memref_slice %arg3[%dma_wait3A_180, %dma_wait3A_181] : memref<2621440x16xf32, #tpu.memory_space<hbm>> -> memref<2621440x16xf32, #tpu.memory_space<hbm>>
      tpu.wait_indirect_dma semaphore(%arg7 : memref<!tpu.dma_semaphore, #tpu.memory_space<semaphore_mem>>) src(%dma_wait3A_182 : memref<2621440x16xf32, #tpu.memory_space<hbm>>) dst(%dma_wait3A_176 : memref<128x16xf32, #tpu.memory_space<vmem>>)
      %mul3A_183 = arith.constant 1024 : i32
      %mul3A_184 = arith.muli %scan3A_8, %mul3A_183 : i32
      %add3A_185 = arith.addi %mul3A_2, %mul3A_184 : i32
      "tpu.region"() ({
        %run_scoped3A = tpu.sem_alloc : memref<!tpu.dma_semaphore, #tpu.memory_space<semaphore_mem>>
        %dma_start3A_186 = arith.constant 0 : i32
        %dma_start3A_187 = tpu.memref_slice %arg4[%add3A_185, %dma_start3A_186] : memref<425984x16xf32, #tpu.memory_space<hbm>> -> memref<1024x16xf32, #tpu.memory_space<hbm>>
        %dma_start3A_188 = arith.constant 0 : i32
        %dma_start3A_189 = tpu.memref_slice %arg4[%add3A_185, %dma_start3A_188] : memref<425984x16xf32, #tpu.memory_space<hbm>> -> memref<1024x16xf32, #tpu.memory_space<hbm>>
        tpu.enqueue_dma source(%arg6 : memref<1024x16xf32, #tpu.memory_space<vmem>>) target(%dma_start3A_189 : memref<1024x16xf32, #tpu.memory_space<hbm>>) target_semaphore(%run_scoped3A : memref<!tpu.dma_semaphore, #tpu.memory_space<semaphore_mem>>)
        %dma_wait3A_190 = arith.constant 0 : i32
        %dma_wait3A_191 = tpu.memref_slice %arg4[%add3A_185, %dma_wait3A_190] : memref<425984x16xf32, #tpu.memory_space<hbm>> -> memref<1024x16xf32, #tpu.memory_space<hbm>>
        %dma_wait3A_192 = arith.constant 0 : i32
        %dma_wait3A_193 = tpu.memref_slice %arg4[%add3A_185, %dma_wait3A_192] : memref<425984x16xf32, #tpu.memory_space<hbm>> -> memref<1024x16xf32, #tpu.memory_space<hbm>>
        tpu.wait_dma2 semaphore(%run_scoped3A : memref<!tpu.dma_semaphore, #tpu.memory_space<semaphore_mem>>) src(%arg6 : memref<1024x16xf32, #tpu.memory_space<vmem>>) dst(%dma_wait3A_193 : memref<1024x16xf32, #tpu.memory_space<hbm>>)
        tpu.yield
      }) : () -> ()
    }
    %scan3A_7 = arith.constant 13 : i32
    return
  }
}

module attributes {stable_mosaic.version = 14 : i64} {
  func.func @_tr_body(%arg0: i32, %arg1: memref<16x65536xf32, #tpu.memory_space<vmem>>, %arg2: memref<8192x128xf32, #tpu.memory_space<vmem>>) attributes {dimension_semantics = [#tpu.dimension_semantics<arbitrary>], iteration_bounds = array<i64: 40>, scalar_prefetch = 0 : i64, scratch_operands = 0 : i64, tpu.core_type = #tpu.core_type<tc>, window_params = [{transform_indices = @transform_0, window_bounds = array<i64: 16, 65536>}, {transform_indices = @transform_1, window_bounds = array<i64: 8192, 128>}]} {
    %iota3A = tpu.iota {dimensions = array<i32: 1>} : vector<16x128xi32>
    %iota3A_0 = tpu.iota {dimensions = array<i32: 0>} : vector<16x128xi32>
    %add3A = arith.constant 0 : i32
    %add3A_1 = vector.broadcast %add3A : i32 to vector<16x128xi32>
    %add3A_2 = arith.addi %iota3A_0, %add3A_1 : vector<16x128xi32>
    %eq3A = arith.cmpi eq, %iota3A, %add3A_2 : vector<16x128xi32>
    %convert_element_type3A = arith.extui %eq3A : vector<16x128xi1> to vector<16x128xi32>
    %convert_element_type3A_3 = arith.sitofp %convert_element_type3A : vector<16x128xi32> to vector<16x128xf32>
    %convert_element_type3A_4 = arith.truncf %convert_element_type3A_3 : vector<16x128xf32> to vector<16x128xbf16>
    %get3A = arith.constant 0 : index
    %get3A_5 = arith.constant 0 : index
    %get3A_6 = vector.load %arg1[%get3A, %get3A_5] : memref<16x65536xf32, #tpu.memory_space<vmem>>, vector<16x8192xf32>
    %convert_element_type3A_7 = arith.truncf %get3A_6 : vector<16x8192xf32> to vector<16x8192xbf16>
    %dot_general3A = arith.constant dense<0.000000e+00> : vector<8192x128xf32>
    %dot_general3A_8 = tpu.matmul %convert_element_type3A_7, %convert_element_type3A_4, %dot_general3A {dimension_numbers = #tpu.dot_dimension_numbers<[0], [0], [1], [1], [0, 1, 1, 1], [], []>, transpose_lhs_hint = false} : vector<16x8192xbf16>, vector<16x128xbf16>, vector<8192x128xf32> -> vector<8192x128xf32>
    %add3A_9 = arith.constant 16 : i32
    %add3A_10 = vector.broadcast %add3A_9 : i32 to vector<16x128xi32>
    %add3A_11 = arith.addi %iota3A_0, %add3A_10 : vector<16x128xi32>
    %eq3A_12 = arith.cmpi eq, %iota3A, %add3A_11 : vector<16x128xi32>
    %convert_element_type3A_13 = arith.extui %eq3A_12 : vector<16x128xi1> to vector<16x128xi32>
    %convert_element_type3A_14 = arith.sitofp %convert_element_type3A_13 : vector<16x128xi32> to vector<16x128xf32>
    %convert_element_type3A_15 = arith.truncf %convert_element_type3A_14 : vector<16x128xf32> to vector<16x128xbf16>
    %get3A_16 = arith.constant 0 : index
    %get3A_17 = arith.constant 8192 : index
    %get3A_18 = vector.load %arg1[%get3A_16, %get3A_17] : memref<16x65536xf32, #tpu.memory_space<vmem>>, vector<16x8192xf32>
    %convert_element_type3A_19 = arith.truncf %get3A_18 : vector<16x8192xf32> to vector<16x8192xbf16>
    %dot_general3A_20 = arith.constant dense<0.000000e+00> : vector<8192x128xf32>
    %dot_general3A_21 = tpu.matmul %convert_element_type3A_19, %convert_element_type3A_15, %dot_general3A_20 {dimension_numbers = #tpu.dot_dimension_numbers<[0], [0], [1], [1], [0, 1, 1, 1], [], []>, transpose_lhs_hint = false} : vector<16x8192xbf16>, vector<16x128xbf16>, vector<8192x128xf32> -> vector<8192x128xf32>
    %add3A_22 = arith.addf %dot_general3A_8, %dot_general3A_21 : vector<8192x128xf32>
    %add3A_23 = arith.constant 32 : i32
    %add3A_24 = vector.broadcast %add3A_23 : i32 to vector<16x128xi32>
    %add3A_25 = arith.addi %iota3A_0, %add3A_24 : vector<16x128xi32>
    %eq3A_26 = arith.cmpi eq, %iota3A, %add3A_25 : vector<16x128xi32>
    %convert_element_type3A_27 = arith.extui %eq3A_26 : vector<16x128xi1> to vector<16x128xi32>
    %convert_element_type3A_28 = arith.sitofp %convert_element_type3A_27 : vector<16x128xi32> to vector<16x128xf32>
    %convert_element_type3A_29 = arith.truncf %convert_element_type3A_28 : vector<16x128xf32> to vector<16x128xbf16>
    %get3A_30 = arith.constant 0 : index
    %get3A_31 = arith.constant 16384 : index
    %get3A_32 = vector.load %arg1[%get3A_30, %get3A_31] : memref<16x65536xf32, #tpu.memory_space<vmem>>, vector<16x8192xf32>
    %convert_element_type3A_33 = arith.truncf %get3A_32 : vector<16x8192xf32> to vector<16x8192xbf16>
    %dot_general3A_34 = arith.constant dense<0.000000e+00> : vector<8192x128xf32>
    %dot_general3A_35 = tpu.matmul %convert_element_type3A_33, %convert_element_type3A_29, %dot_general3A_34 {dimension_numbers = #tpu.dot_dimension_numbers<[0], [0], [1], [1], [0, 1, 1, 1], [], []>, transpose_lhs_hint = false} : vector<16x8192xbf16>, vector<16x128xbf16>, vector<8192x128xf32> -> vector<8192x128xf32>
    %add3A_36 = arith.addf %add3A_22, %dot_general3A_35 : vector<8192x128xf32>
    %add3A_37 = arith.constant 48 : i32
    %add3A_38 = vector.broadcast %add3A_37 : i32 to vector<16x128xi32>
    %add3A_39 = arith.addi %iota3A_0, %add3A_38 : vector<16x128xi32>
    %eq3A_40 = arith.cmpi eq, %iota3A, %add3A_39 : vector<16x128xi32>
    %convert_element_type3A_41 = arith.extui %eq3A_40 : vector<16x128xi1> to vector<16x128xi32>
    %convert_element_type3A_42 = arith.sitofp %convert_element_type3A_41 : vector<16x128xi32> to vector<16x128xf32>
    %convert_element_type3A_43 = arith.truncf %convert_element_type3A_42 : vector<16x128xf32> to vector<16x128xbf16>
    %get3A_44 = arith.constant 0 : index
    %get3A_45 = arith.constant 24576 : index
    %get3A_46 = vector.load %arg1[%get3A_44, %get3A_45] : memref<16x65536xf32, #tpu.memory_space<vmem>>, vector<16x8192xf32>
    %convert_element_type3A_47 = arith.truncf %get3A_46 : vector<16x8192xf32> to vector<16x8192xbf16>
    %dot_general3A_48 = arith.constant dense<0.000000e+00> : vector<8192x128xf32>
    %dot_general3A_49 = tpu.matmul %convert_element_type3A_47, %convert_element_type3A_43, %dot_general3A_48 {dimension_numbers = #tpu.dot_dimension_numbers<[0], [0], [1], [1], [0, 1, 1, 1], [], []>, transpose_lhs_hint = false} : vector<16x8192xbf16>, vector<16x128xbf16>, vector<8192x128xf32> -> vector<8192x128xf32>
    %add3A_50 = arith.addf %add3A_36, %dot_general3A_49 : vector<8192x128xf32>
    %add3A_51 = arith.constant 64 : i32
    %add3A_52 = vector.broadcast %add3A_51 : i32 to vector<16x128xi32>
    %add3A_53 = arith.addi %iota3A_0, %add3A_52 : vector<16x128xi32>
    %eq3A_54 = arith.cmpi eq, %iota3A, %add3A_53 : vector<16x128xi32>
    %convert_element_type3A_55 = arith.extui %eq3A_54 : vector<16x128xi1> to vector<16x128xi32>
    %convert_element_type3A_56 = arith.sitofp %convert_element_type3A_55 : vector<16x128xi32> to vector<16x128xf32>
    %convert_element_type3A_57 = arith.truncf %convert_element_type3A_56 : vector<16x128xf32> to vector<16x128xbf16>
    %get3A_58 = arith.constant 0 : index
    %get3A_59 = arith.constant 32768 : index
    %get3A_60 = vector.load %arg1[%get3A_58, %get3A_59] : memref<16x65536xf32, #tpu.memory_space<vmem>>, vector<16x8192xf32>
    %convert_element_type3A_61 = arith.truncf %get3A_60 : vector<16x8192xf32> to vector<16x8192xbf16>
    %dot_general3A_62 = arith.constant dense<0.000000e+00> : vector<8192x128xf32>
    %dot_general3A_63 = tpu.matmul %convert_element_type3A_61, %convert_element_type3A_57, %dot_general3A_62 {dimension_numbers = #tpu.dot_dimension_numbers<[0], [0], [1], [1], [0, 1, 1, 1], [], []>, transpose_lhs_hint = false} : vector<16x8192xbf16>, vector<16x128xbf16>, vector<8192x128xf32> -> vector<8192x128xf32>
    %add3A_64 = arith.addf %add3A_50, %dot_general3A_63 : vector<8192x128xf32>
    %add3A_65 = arith.constant 80 : i32
    %add3A_66 = vector.broadcast %add3A_65 : i32 to vector<16x128xi32>
    %add3A_67 = arith.addi %iota3A_0, %add3A_66 : vector<16x128xi32>
    %eq3A_68 = arith.cmpi eq, %iota3A, %add3A_67 : vector<16x128xi32>
    %convert_element_type3A_69 = arith.extui %eq3A_68 : vector<16x128xi1> to vector<16x128xi32>
    %convert_element_type3A_70 = arith.sitofp %convert_element_type3A_69 : vector<16x128xi32> to vector<16x128xf32>
    %convert_element_type3A_71 = arith.truncf %convert_element_type3A_70 : vector<16x128xf32> to vector<16x128xbf16>
    %get3A_72 = arith.constant 0 : index
    %get3A_73 = arith.constant 40960 : index
    %get3A_74 = vector.load %arg1[%get3A_72, %get3A_73] : memref<16x65536xf32, #tpu.memory_space<vmem>>, vector<16x8192xf32>
    %convert_element_type3A_75 = arith.truncf %get3A_74 : vector<16x8192xf32> to vector<16x8192xbf16>
    %dot_general3A_76 = arith.constant dense<0.000000e+00> : vector<8192x128xf32>
    %dot_general3A_77 = tpu.matmul %convert_element_type3A_75, %convert_element_type3A_71, %dot_general3A_76 {dimension_numbers = #tpu.dot_dimension_numbers<[0], [0], [1], [1], [0, 1, 1, 1], [], []>, transpose_lhs_hint = false} : vector<16x8192xbf16>, vector<16x128xbf16>, vector<8192x128xf32> -> vector<8192x128xf32>
    %add3A_78 = arith.addf %add3A_64, %dot_general3A_77 : vector<8192x128xf32>
    %add3A_79 = arith.constant 96 : i32
    %add3A_80 = vector.broadcast %add3A_79 : i32 to vector<16x128xi32>
    %add3A_81 = arith.addi %iota3A_0, %add3A_80 : vector<16x128xi32>
    %eq3A_82 = arith.cmpi eq, %iota3A, %add3A_81 : vector<16x128xi32>
    %convert_element_type3A_83 = arith.extui %eq3A_82 : vector<16x128xi1> to vector<16x128xi32>
    %convert_element_type3A_84 = arith.sitofp %convert_element_type3A_83 : vector<16x128xi32> to vector<16x128xf32>
    %convert_element_type3A_85 = arith.truncf %convert_element_type3A_84 : vector<16x128xf32> to vector<16x128xbf16>
    %get3A_86 = arith.constant 0 : index
    %get3A_87 = arith.constant 49152 : index
    %get3A_88 = vector.load %arg1[%get3A_86, %get3A_87] : memref<16x65536xf32, #tpu.memory_space<vmem>>, vector<16x8192xf32>
    %convert_element_type3A_89 = arith.truncf %get3A_88 : vector<16x8192xf32> to vector<16x8192xbf16>
    %dot_general3A_90 = arith.constant dense<0.000000e+00> : vector<8192x128xf32>
    %dot_general3A_91 = tpu.matmul %convert_element_type3A_89, %convert_element_type3A_85, %dot_general3A_90 {dimension_numbers = #tpu.dot_dimension_numbers<[0], [0], [1], [1], [0, 1, 1, 1], [], []>, transpose_lhs_hint = false} : vector<16x8192xbf16>, vector<16x128xbf16>, vector<8192x128xf32> -> vector<8192x128xf32>
    %add3A_92 = arith.addf %add3A_78, %dot_general3A_91 : vector<8192x128xf32>
    %add3A_93 = arith.constant 112 : i32
    %add3A_94 = vector.broadcast %add3A_93 : i32 to vector<16x128xi32>
    %add3A_95 = arith.addi %iota3A_0, %add3A_94 : vector<16x128xi32>
    %eq3A_96 = arith.cmpi eq, %iota3A, %add3A_95 : vector<16x128xi32>
    %convert_element_type3A_97 = arith.extui %eq3A_96 : vector<16x128xi1> to vector<16x128xi32>
    %convert_element_type3A_98 = arith.sitofp %convert_element_type3A_97 : vector<16x128xi32> to vector<16x128xf32>
    %convert_element_type3A_99 = arith.truncf %convert_element_type3A_98 : vector<16x128xf32> to vector<16x128xbf16>
    %get3A_100 = arith.constant 0 : index
    %get3A_101 = arith.constant 57344 : index
    %get3A_102 = vector.load %arg1[%get3A_100, %get3A_101] : memref<16x65536xf32, #tpu.memory_space<vmem>>, vector<16x8192xf32>
    %convert_element_type3A_103 = arith.truncf %get3A_102 : vector<16x8192xf32> to vector<16x8192xbf16>
    %dot_general3A_104 = arith.constant dense<0.000000e+00> : vector<8192x128xf32>
    %dot_general3A_105 = tpu.matmul %convert_element_type3A_103, %convert_element_type3A_99, %dot_general3A_104 {dimension_numbers = #tpu.dot_dimension_numbers<[0], [0], [1], [1], [0, 1, 1, 1], [], []>, transpose_lhs_hint = false} : vector<16x8192xbf16>, vector<16x128xbf16>, vector<8192x128xf32> -> vector<8192x128xf32>
    %add3A_106 = arith.addf %add3A_92, %dot_general3A_105 : vector<8192x128xf32>
    %swap3A = arith.constant 0 : index
    %swap3A_107 = arith.constant 0 : index
    %swap3A_108 = vector.load %arg2[%swap3A, %swap3A_107] : memref<8192x128xf32, #tpu.memory_space<vmem>>, vector<8192x128xf32>
    tpu.vector_store %arg2[%swap3A, %swap3A_107], %add3A_106 {strides = array<i32>} : memref<8192x128xf32, #tpu.memory_space<vmem>>, vector<8192x128xf32>,
    return
  }
  func.func @transform_0(%arg0: i32) -> (i32, i32) {
    %c0_i32 = arith.constant 0 : i32
    %c0_i32_0 = arith.constant 0 : i32
    return %c0_i32, %arg0 : i32, i32
  }
  func.func @transform_1(%arg0: i32) -> (i32, i32) {
    %c0_i32 = arith.constant 0 : i32
    %c0_i32_0 = arith.constant 0 : i32
    return %arg0, %c0_i32 : i32, i32
  }
}

module attributes {stable_mosaic.version = 14 : i64} {
  func.func @_dense_body(%arg0: i32, %arg1: memref<1024x13xf32, #tpu.memory_space<vmem>>, %arg2: memref<1024x416xf32, #tpu.memory_space<vmem>>, %arg3: memref<13x512xf32, #tpu.memory_space<vmem>>, %arg4: memref<1x512xf32, #tpu.memory_space<vmem>>, %arg5: memref<512x256xf32, #tpu.memory_space<vmem>>, %arg6: memref<1x256xf32, #tpu.memory_space<vmem>>, %arg7: memref<256x16xf32, #tpu.memory_space<vmem>>, %arg8: memref<1x16xf32, #tpu.memory_space<vmem>>, %arg9: memref<3x432x64xf32, #tpu.memory_space<vmem>>, %arg10: memref<3x64x432xf32, #tpu.memory_space<vmem>>, %arg11: memref<3x1x432xf32, #tpu.memory_space<vmem>>, %arg12: memref<432x512xf32, #tpu.memory_space<vmem>>, %arg13: memref<1x512xf32, #tpu.memory_space<vmem>>, %arg14: memref<512x256xf32, #tpu.memory_space<vmem>>, %arg15: memref<1x256xf32, #tpu.memory_space<vmem>>, %arg16: memref<256x1xf32, #tpu.memory_space<vmem>>, %arg17: memref<1x1xf32, #tpu.memory_space<vmem>>, %arg18: memref<1024x1xf32, #tpu.memory_space<vmem>>) attributes {dimension_semantics = [#tpu.dimension_semantics<arbitrary>], iteration_bounds = array<i64: 16>, scalar_prefetch = 0 : i64, scratch_operands = 0 : i64, tpu.core_type = #tpu.core_type<tc>, window_params = [{transform_indices = @transform_0, window_bounds = array<i64: 1024, 13>}, {transform_indices = @transform_1, window_bounds = array<i64: 1024, 416>}, {pipeline_mode = #tpu.pipeline_mode<synchronous>, transform_indices = @transform_2, window_bounds = array<i64: 13, 512>}, {pipeline_mode = #tpu.pipeline_mode<synchronous>, transform_indices = @transform_3, window_bounds = array<i64: 1, 512>}, {pipeline_mode = #tpu.pipeline_mode<synchronous>, transform_indices = @transform_4, window_bounds = array<i64: 512, 256>}, {pipeline_mode = #tpu.pipeline_mode<synchronous>, transform_indices = @transform_5, window_bounds = array<i64: 1, 256>}, {pipeline_mode = #tpu.pipeline_mode<synchronous>, transform_indices = @transform_6, window_bounds = array<i64: 256, 16>}, {pipeline_mode = #tpu.pipeline_mode<synchronous>, transform_indices = @transform_7, window_bounds = array<i64: 1, 16>}, {pipeline_mode = #tpu.pipeline_mode<synchronous>, transform_indices = @transform_8, window_bounds = array<i64: 3, 432, 64>}, {pipeline_mode = #tpu.pipeline_mode<synchronous>, transform_indices = @transform_9, window_bounds = array<i64: 3, 64, 432>}, {pipeline_mode = #tpu.pipeline_mode<synchronous>, transform_indices = @transform_10, window_bounds = array<i64: 3, 1, 432>}, {pipeline_mode = #tpu.pipeline_mode<synchronous>, transform_indices = @transform_11, window_bounds = array<i64: 432, 512>}, {pipeline_mode = #tpu.pipeline_mode<synchronous>, transform_indices = @transform_12, window_bounds = array<i64: 1, 512>}, {pipeline_mode = #tpu.pipeline_mode<synchronous>, transform_indices = @transform_13, window_bounds = array<i64: 512, 256>}, {pipeline_mode = #tpu.pipeline_mode<synchronous>, transform_indices = @transform_14, window_bounds = array<i64: 1, 256>}, {pipeline_mode = #tpu.pipeline_mode<synchronous>, transform_indices = @transform_15, window_bounds = array<i64: 256, 1>}, {pipeline_mode = #tpu.pipeline_mode<synchronous>, transform_indices = @transform_16, window_bounds = array<i64: 1, 1>}, {transform_indices = @transform_17, window_bounds = array<i64: 1024, 1>}]} {
    %get3A = arith.constant 0 : index
    %get3A_0 = arith.constant 0 : index
    %get3A_1 = vector.load %arg1[%get3A, %get3A_0] : memref<1024x13xf32, #tpu.memory_space<vmem>>, vector<1024x13xf32>
    %get3A_2 = arith.constant 0 : index
    %get3A_3 = arith.constant 0 : index
    %get3A_4 = vector.load %arg3[%get3A_2, %get3A_3] : memref<13x512xf32, #tpu.memory_space<vmem>>, vector<13x512xf32>
    %dot_general3A = arith.constant dense<0.000000e+00> : vector<1024x512xf32>
    %dot_general3A_5 = tpu.matmul %get3A_1, %get3A_4, %dot_general3A {dimension_numbers = #tpu.dot_dimension_numbers<[1], [0], [0], [1], [0, 0, 1, 1], [], []>, transpose_lhs_hint = false} : vector<1024x13xf32>, vector<13x512xf32>, vector<1024x512xf32> -> vector<1024x512xf32>
    %get3A_6 = arith.constant 0 : index
    %get3A_7 = arith.constant 0 : index
    %get3A_8 = vector.load %arg4[%get3A_6, %get3A_7] : memref<1x512xf32, #tpu.memory_space<vmem>>, vector<1x512xf32>
    %add3A = vector.broadcast %get3A_8 : vector<1x512xf32> to vector<1024x512xf32>
    %add3A_9 = arith.addf %dot_general3A_5, %add3A : vector<1024x512xf32>
    %max3A = arith.constant 0.000000e+00 : f32
    %max3A_10 = vector.broadcast %max3A : f32 to vector<1024x512xf32>
    %max3A_11 = arith.maximumf %add3A_9, %max3A_10 : vector<1024x512xf32>
    %get3A_12 = arith.constant 0 : index
    %get3A_13 = arith.constant 0 : index
    %get3A_14 = vector.load %arg5[%get3A_12, %get3A_13] : memref<512x256xf32, #tpu.memory_space<vmem>>, vector<512x256xf32>
    %dot_general3A_15 = arith.constant dense<0.000000e+00> : vector<1024x256xf32>
    %dot_general3A_16 = tpu.matmul %max3A_11, %get3A_14, %dot_general3A_15 {dimension_numbers = #tpu.dot_dimension_numbers<[1], [0], [0], [1], [0, 0, 1, 1], [], []>, transpose_lhs_hint = false} : vector<1024x512xf32>, vector<512x256xf32>, vector<1024x256xf32> -> vector<1024x256xf32>
    %get3A_17 = arith.constant 0 : index
    %get3A_18 = arith.constant 0 : index
    %get3A_19 = vector.load %arg6[%get3A_17, %get3A_18] : memref<1x256xf32, #tpu.memory_space<vmem>>, vector<1x256xf32>
    %add3A_20 = vector.broadcast %get3A_19 : vector<1x256xf32> to vector<1024x256xf32>
    %add3A_21 = arith.addf %dot_general3A_16, %add3A_20 : vector<1024x256xf32>
    %max3A_22 = arith.constant 0.000000e+00 : f32
    %max3A_23 = vector.broadcast %max3A_22 : f32 to vector<1024x256xf32>
    %max3A_24 = arith.maximumf %add3A_21, %max3A_23 : vector<1024x256xf32>
    %get3A_25 = arith.constant 0 : index
    %get3A_26 = arith.constant 0 : index
    %get3A_27 = vector.load %arg7[%get3A_25, %get3A_26] : memref<256x16xf32, #tpu.memory_space<vmem>>, vector<256x16xf32>
    %dot_general3A_28 = arith.constant dense<0.000000e+00> : vector<1024x16xf32>
    %dot_general3A_29 = tpu.matmul %max3A_24, %get3A_27, %dot_general3A_28 {dimension_numbers = #tpu.dot_dimension_numbers<[1], [0], [0], [1], [0, 0, 1, 1], [], []>, transpose_lhs_hint = false} : vector<1024x256xf32>, vector<256x16xf32>, vector<1024x16xf32> -> vector<1024x16xf32>
    %get3A_30 = arith.constant 0 : index
    %get3A_31 = arith.constant 0 : index
    %get3A_32 = vector.load %arg8[%get3A_30, %get3A_31] : memref<1x16xf32, #tpu.memory_space<vmem>>, vector<1x16xf32>
    %add3A_33 = vector.broadcast %get3A_32 : vector<1x16xf32> to vector<1024x16xf32>
    %add3A_34 = arith.addf %dot_general3A_29, %add3A_33 : vector<1024x16xf32>
    %max3A_35 = arith.constant 0.000000e+00 : f32
    %max3A_36 = vector.broadcast %max3A_35 : f32 to vector<1024x16xf32>
    %max3A_37 = arith.maximumf %add3A_34, %max3A_36 : vector<1024x16xf32>
    %get3A_38 = arith.constant 0 : index
    %get3A_39 = arith.constant 0 : index
    %get3A_40 = vector.load %arg2[%get3A_38, %get3A_39] : memref<1024x416xf32, #tpu.memory_space<vmem>>, vector<1024x416xf32>
    %concatenate3A = tpu.concatenate %max3A_37, %get3A_40 in 1 : vector<1024x16xf32>, vector<1024x416xf32> -> vector<1024x432xf32>
    %get3A_41 = arith.constant 0 : index
    %get3A_42 = arith.constant 0 : index
    %get3A_43 = arith.constant 0 : index
    %get3A_44 = vector.load %arg9[%get3A_41, %get3A_42, %get3A_43] : memref<3x432x64xf32, #tpu.memory_space<vmem>>, vector<1x432x64xf32>
    %get3A_45 = vector.shape_cast %get3A_44 : vector<1x432x64xf32> to vector<432x64xf32>
    %dot_general3A_46 = arith.constant dense<0.000000e+00> : vector<1024x64xf32>
    %dot_general3A_47 = tpu.matmul %concatenate3A, %get3A_45, %dot_general3A_46 {dimension_numbers = #tpu.dot_dimension_numbers<[1], [0], [0], [1], [0, 0, 1, 1], [], []>, transpose_lhs_hint = false} : vector<1024x432xf32>, vector<432x64xf32>, vector<1024x64xf32> -> vector<1024x64xf32>
    %get3A_48 = arith.constant 0 : index
    %get3A_49 = arith.constant 0 : index
    %get3A_50 = arith.constant 0 : index
    %get3A_51 = vector.load %arg10[%get3A_48, %get3A_49, %get3A_50] : memref<3x64x432xf32, #tpu.memory_space<vmem>>, vector<1x64x432xf32>
    %get3A_52 = vector.shape_cast %get3A_51 : vector<1x64x432xf32> to vector<64x432xf32>
    %dot_general3A_53 = arith.constant dense<0.000000e+00> : vector<1024x432xf32>
    %dot_general3A_54 = tpu.matmul %dot_general3A_47, %get3A_52, %dot_general3A_53 {dimension_numbers = #tpu.dot_dimension_numbers<[1], [0], [0], [1], [0, 0, 1, 1], [], []>, transpose_lhs_hint = false} : vector<1024x64xf32>, vector<64x432xf32>, vector<1024x432xf32> -> vector<1024x432xf32>
    %get3A_55 = arith.constant 0 : index
    %get3A_56 = arith.constant 0 : index
    %get3A_57 = arith.constant 0 : index
    %get3A_58 = vector.load %arg11[%get3A_55, %get3A_56, %get3A_57] : memref<3x1x432xf32, #tpu.memory_space<vmem>>, vector<1x1x432xf32>
    %get3A_59 = vector.shape_cast %get3A_58 : vector<1x1x432xf32> to vector<1x432xf32>
    %add3A_60 = vector.broadcast %get3A_59 : vector<1x432xf32> to vector<1024x432xf32>
    %add3A_61 = arith.addf %dot_general3A_54, %add3A_60 : vector<1024x432xf32>
    %mul3A = arith.mulf %concatenate3A, %add3A_61 : vector<1024x432xf32>
    %add3A_62 = arith.addf %mul3A, %concatenate3A : vector<1024x432xf32>
    %get3A_63 = arith.constant 1 : index
    %get3A_64 = arith.constant 0 : index
    %get3A_65 = arith.constant 0 : index
    %get3A_66 = vector.load %arg9[%get3A_63, %get3A_64, %get3A_65] : memref<3x432x64xf32, #tpu.memory_space<vmem>>, vector<1x432x64xf32>
    %get3A_67 = vector.shape_cast %get3A_66 : vector<1x432x64xf32> to vector<432x64xf32>
    %dot_general3A_68 = arith.constant dense<0.000000e+00> : vector<1024x64xf32>
    %dot_general3A_69 = tpu.matmul %add3A_62, %get3A_67, %dot_general3A_68 {dimension_numbers = #tpu.dot_dimension_numbers<[1], [0], [0], [1], [0, 0, 1, 1], [], []>, transpose_lhs_hint = false} : vector<1024x432xf32>, vector<432x64xf32>, vector<1024x64xf32> -> vector<1024x64xf32>
    %get3A_70 = arith.constant 1 : index
    %get3A_71 = arith.constant 0 : index
    %get3A_72 = arith.constant 0 : index
    %get3A_73 = vector.load %arg10[%get3A_70, %get3A_71, %get3A_72] : memref<3x64x432xf32, #tpu.memory_space<vmem>>, vector<1x64x432xf32>
    %get3A_74 = vector.shape_cast %get3A_73 : vector<1x64x432xf32> to vector<64x432xf32>
    %dot_general3A_75 = arith.constant dense<0.000000e+00> : vector<1024x432xf32>
    %dot_general3A_76 = tpu.matmul %dot_general3A_69, %get3A_74, %dot_general3A_75 {dimension_numbers = #tpu.dot_dimension_numbers<[1], [0], [0], [1], [0, 0, 1, 1], [], []>, transpose_lhs_hint = false} : vector<1024x64xf32>, vector<64x432xf32>, vector<1024x432xf32> -> vector<1024x432xf32>
    %get3A_77 = arith.constant 1 : index
    %get3A_78 = arith.constant 0 : index
    %get3A_79 = arith.constant 0 : index
    %get3A_80 = vector.load %arg11[%get3A_77, %get3A_78, %get3A_79] : memref<3x1x432xf32, #tpu.memory_space<vmem>>, vector<1x1x432xf32>
    %get3A_81 = vector.shape_cast %get3A_80 : vector<1x1x432xf32> to vector<1x432xf32>
    %add3A_82 = vector.broadcast %get3A_81 : vector<1x432xf32> to vector<1024x432xf32>
    %add3A_83 = arith.addf %dot_general3A_76, %add3A_82 : vector<1024x432xf32>
    %mul3A_84 = arith.mulf %concatenate3A, %add3A_83 : vector<1024x432xf32>
    %add3A_85 = arith.addf %mul3A_84, %add3A_62 : vector<1024x432xf32>
    %get3A_86 = arith.constant 2 : index
    %get3A_87 = arith.constant 0 : index
    %get3A_88 = arith.constant 0 : index
    %get3A_89 = vector.load %arg9[%get3A_86, %get3A_87, %get3A_88] : memref<3x432x64xf32, #tpu.memory_space<vmem>>, vector<1x432x64xf32>
    %get3A_90 = vector.shape_cast %get3A_89 : vector<1x432x64xf32> to vector<432x64xf32>
    %dot_general3A_91 = arith.constant dense<0.000000e+00> : vector<1024x64xf32>
    %dot_general3A_92 = tpu.matmul %add3A_85, %get3A_90, %dot_general3A_91 {dimension_numbers = #tpu.dot_dimension_numbers<[1], [0], [0], [1], [0, 0, 1, 1], [], []>, transpose_lhs_hint = false} : vector<1024x432xf32>, vector<432x64xf32>, vector<1024x64xf32> -> vector<1024x64xf32>
    %get3A_93 = arith.constant 2 : index
    %get3A_94 = arith.constant 0 : index
    %get3A_95 = arith.constant 0 : index
    %get3A_96 = vector.load %arg10[%get3A_93, %get3A_94, %get3A_95] : memref<3x64x432xf32, #tpu.memory_space<vmem>>, vector<1x64x432xf32>
    %get3A_97 = vector.shape_cast %get3A_96 : vector<1x64x432xf32> to vector<64x432xf32>
    %dot_general3A_98 = arith.constant dense<0.000000e+00> : vector<1024x432xf32>
    %dot_general3A_99 = tpu.matmul %dot_general3A_92, %get3A_97, %dot_general3A_98 {dimension_numbers = #tpu.dot_dimension_numbers<[1], [0], [0], [1], [0, 0, 1, 1], [], []>, transpose_lhs_hint = false} : vector<1024x64xf32>, vector<64x432xf32>, vector<1024x432xf32> -> vector<1024x432xf32>
    %get3A_100 = arith.constant 2 : index
    %get3A_101 = arith.constant 0 : index
    %get3A_102 = arith.constant 0 : index
    %get3A_103 = vector.load %arg11[%get3A_100, %get3A_101, %get3A_102] : memref<3x1x432xf32, #tpu.memory_space<vmem>>, vector<1x1x432xf32>
    %get3A_104 = vector.shape_cast %get3A_103 : vector<1x1x432xf32> to vector<1x432xf32>
    %add3A_105 = vector.broadcast %get3A_104 : vector<1x432xf32> to vector<1024x432xf32>
    %add3A_106 = arith.addf %dot_general3A_99, %add3A_105 : vector<1024x432xf32>
    %mul3A_107 = arith.mulf %concatenate3A, %add3A_106 : vector<1024x432xf32>
    %add3A_108 = arith.addf %mul3A_107, %add3A_85 : vector<1024x432xf32>
    %get3A_109 = arith.constant 0 : index
    %get3A_110 = arith.constant 0 : index
    %get3A_111 = vector.load %arg12[%get3A_109, %get3A_110] : memref<432x512xf32, #tpu.memory_space<vmem>>, vector<432x512xf32>
    %dot_general3A_112 = arith.constant dense<0.000000e+00> : vector<1024x512xf32>
    %dot_general3A_113 = tpu.matmul %add3A_108, %get3A_111, %dot_general3A_112 {dimension_numbers = #tpu.dot_dimension_numbers<[1], [0], [0], [1], [0, 0, 1, 1], [], []>, transpose_lhs_hint = false} : vector<1024x432xf32>, vector<432x512xf32>, vector<1024x512xf32> -> vector<1024x512xf32>
    %get3A_114 = arith.constant 0 : index
    %get3A_115 = arith.constant 0 : index
    %get3A_116 = vector.load %arg13[%get3A_114, %get3A_115] : memref<1x512xf32, #tpu.memory_space<vmem>>, vector<1x512xf32>
    %add3A_117 = vector.broadcast %get3A_116 : vector<1x512xf32> to vector<1024x512xf32>
    %add3A_118 = arith.addf %dot_general3A_113, %add3A_117 : vector<1024x512xf32>
    %max3A_119 = arith.constant 0.000000e+00 : f32
    %max3A_120 = vector.broadcast %max3A_119 : f32 to vector<1024x512xf32>
    %max3A_121 = arith.maximumf %add3A_118, %max3A_120 : vector<1024x512xf32>
    %get3A_122 = arith.constant 0 : index
    %get3A_123 = arith.constant 0 : index
    %get3A_124 = vector.load %arg14[%get3A_122, %get3A_123] : memref<512x256xf32, #tpu.memory_space<vmem>>, vector<512x256xf32>
    %dot_general3A_125 = arith.constant dense<0.000000e+00> : vector<1024x256xf32>
    %dot_general3A_126 = tpu.matmul %max3A_121, %get3A_124, %dot_general3A_125 {dimension_numbers = #tpu.dot_dimension_numbers<[1], [0], [0], [1], [0, 0, 1, 1], [], []>, transpose_lhs_hint = false} : vector<1024x512xf32>, vector<512x256xf32>, vector<1024x256xf32> -> vector<1024x256xf32>
    %get3A_127 = arith.constant 0 : index
    %get3A_128 = arith.constant 0 : index
    %get3A_129 = vector.load %arg15[%get3A_127, %get3A_128] : memref<1x256xf32, #tpu.memory_space<vmem>>, vector<1x256xf32>
    %add3A_130 = vector.broadcast %get3A_129 : vector<1x256xf32> to vector<1024x256xf32>
    %add3A_131 = arith.addf %dot_general3A_126, %add3A_130 : vector<1024x256xf32>
    %max3A_132 = arith.constant 0.000000e+00 : f32
    %max3A_133 = vector.broadcast %max3A_132 : f32 to vector<1024x256xf32>
    %max3A_134 = arith.maximumf %add3A_131, %max3A_133 : vector<1024x256xf32>
    %get3A_135 = arith.constant 0 : index
    %get3A_136 = arith.constant 0 : index
    %get3A_137 = vector.load %arg16[%get3A_135, %get3A_136] : memref<256x1xf32, #tpu.memory_space<vmem>>, vector<256x1xf32>
    %dot_general3A_138 = arith.constant dense<0.000000e+00> : vector<1024x1xf32>
    %dot_general3A_139 = tpu.matmul %max3A_134, %get3A_137, %dot_general3A_138 {dimension_numbers = #tpu.dot_dimension_numbers<[1], [0], [0], [1], [0, 0, 1, 1], [], []>, transpose_lhs_hint = false} : vector<1024x256xf32>, vector<256x1xf32>, vector<1024x1xf32> -> vector<1024x1xf32>
    %get3A_140 = arith.constant 0 : index
    %get3A_141 = arith.constant 0 : index
    %get3A_142 = vector.load %arg17[%get3A_140, %get3A_141] : memref<1x1xf32, #tpu.memory_space<vmem>>, vector<1x1xf32>
    %add3A_143 = vector.broadcast %get3A_142 : vector<1x1xf32> to vector<1024x1xf32>
    %add3A_144 = arith.addf %dot_general3A_139, %add3A_143 : vector<1024x1xf32>
    %neg3A = arith.constant 0.000000e+00 : f32
    %neg3A_145 = vector.broadcast %neg3A : f32 to vector<1024x1xf32>
    %neg3A_146 = arith.subf %neg3A_145, %add3A_144 : vector<1024x1xf32>
    %exp3A = math.exp %neg3A_146 : vector<1024x1xf32>
    %add3A_147 = arith.constant 1.000000e+00 : f32
    %add3A_148 = vector.broadcast %add3A_147 : f32 to vector<1024x1xf32>
    %add3A_149 = arith.addf %add3A_148, %exp3A : vector<1024x1xf32>
    %div3A = arith.constant 1.000000e+00 : f32
    %div3A_150 = vector.broadcast %div3A : f32 to vector<1024x1xf32>
    %div3A_151 = arith.divf %div3A_150, %add3A_149 : vector<1024x1xf32>
    %swap3A = arith.constant 0 : index
    %swap3A_152 = arith.constant 0 : index
    %swap3A_153 = vector.load %arg18[%swap3A, %swap3A_152] : memref<1024x1xf32, #tpu.memory_space<vmem>>, vector<1024x1xf32>
    tpu.vector_store %arg18[%swap3A, %swap3A_152], %div3A_151 {strides = array<i32>} : memref<1024x1xf32, #tpu.memory_space<vmem>>, vector<1024x1xf32>,
    return
  }
  func.func @transform_0(%arg0: i32) -> (i32, i32) {
    %c0_i32 = arith.constant 0 : i32
    %c0_i32_0 = arith.constant 0 : i32
    return %arg0, %c0_i32 : i32, i32
  }
  func.func @transform_1(%arg0: i32) -> (i32, i32) {
    %c0_i32 = arith.constant 0 : i32
    %c0_i32_0 = arith.constant 0 : i32
    return %arg0, %c0_i32 : i32, i32
  }
  func.func @transform_2(%arg0: i32) -> (i32, i32) {
    %c0_i32 = arith.constant 0 : i32
    %c0_i32_0 = arith.constant 0 : i32
    %c0_i32_1 = arith.constant 0 : i32
    return %c0_i32, %c0_i32_0 : i32, i32
  }
  func.func @transform_3(%arg0: i32) -> (i32, i32) {
    %c0_i32 = arith.constant 0 : i32
    %c0_i32_0 = arith.constant 0 : i32
    %c0_i32_1 = arith.constant 0 : i32
    return %c0_i32, %c0_i32_0 : i32, i32
  }
  func.func @transform_4(%arg0: i32) -> (i32, i32) {
    %c0_i32 = arith.constant 0 : i32
    %c0_i32_0 = arith.constant 0 : i32
    %c0_i32_1 = arith.constant 0 : i32
    return %c0_i32, %c0_i32_0 : i32, i32
  }
  func.func @transform_5(%arg0: i32) -> (i32, i32) {
    %c0_i32 = arith.constant 0 : i32
    %c0_i32_0 = arith.constant 0 : i32
    %c0_i32_1 = arith.constant 0 : i32
    return %c0_i32, %c0_i32_0 : i32, i32
  }
  func.func @transform_6(%arg0: i32) -> (i32, i32) {
    %c0_i32 = arith.constant 0 : i32
    %c0_i32_0 = arith.constant 0 : i32
    %c0_i32_1 = arith.constant 0 : i32
    return %c0_i32, %c0_i32_0 : i32, i32
  }
  func.func @transform_7(%arg0: i32) -> (i32, i32) {
    %c0_i32 = arith.constant 0 : i32
    %c0_i32_0 = arith.constant 0 : i32
    %c0_i32_1 = arith.constant 0 : i32
    return %c0_i32, %c0_i32_0 : i32, i32
  }
  func.func @transform_8(%arg0: i32) -> (i32, i32, i32) {
    %c0_i32 = arith.constant 0 : i32
    %c0_i32_0 = arith.constant 0 : i32
    %c0_i32_1 = arith.constant 0 : i32
    %c0_i32_2 = arith.constant 0 : i32
    return %c0_i32, %c0_i32_0, %c0_i32_1 : i32, i32, i32
  }
  func.func @transform_9(%arg0: i32) -> (i32, i32, i32) {
    %c0_i32 = arith.constant 0 : i32
    %c0_i32_0 = arith.constant 0 : i32
    %c0_i32_1 = arith.constant 0 : i32
    %c0_i32_2 = arith.constant 0 : i32
    return %c0_i32, %c0_i32_0, %c0_i32_1 : i32, i32, i32
  }
  func.func @transform_10(%arg0: i32) -> (i32, i32, i32) {
    %c0_i32 = arith.constant 0 : i32
    %c0_i32_0 = arith.constant 0 : i32
    %c0_i32_1 = arith.constant 0 : i32
    %c0_i32_2 = arith.constant 0 : i32
    return %c0_i32, %c0_i32_0, %c0_i32_1 : i32, i32, i32
  }
  func.func @transform_11(%arg0: i32) -> (i32, i32) {
    %c0_i32 = arith.constant 0 : i32
    %c0_i32_0 = arith.constant 0 : i32
    %c0_i32_1 = arith.constant 0 : i32
    return %c0_i32, %c0_i32_0 : i32, i32
  }
  func.func @transform_12(%arg0: i32) -> (i32, i32) {
    %c0_i32 = arith.constant 0 : i32
    %c0_i32_0 = arith.constant 0 : i32
    %c0_i32_1 = arith.constant 0 : i32
    return %c0_i32, %c0_i32_0 : i32, i32
  }
  func.func @transform_13(%arg0: i32) -> (i32, i32) {
    %c0_i32 = arith.constant 0 : i32
    %c0_i32_0 = arith.constant 0 : i32
    %c0_i32_1 = arith.constant 0 : i32
    return %c0_i32, %c0_i32_0 : i32, i32
  }
  func.func @transform_14(%arg0: i32) -> (i32, i32) {
    %c0_i32 = arith.constant 0 : i32
    %c0_i32_0 = arith.constant 0 : i32
    %c0_i32_1 = arith.constant 0 : i32
    return %c0_i32, %c0_i32_0 : i32, i32
  }
  func.func @transform_15(%arg0: i32) -> (i32, i32) {
    %c0_i32 = arith.constant 0 : i32
    %c0_i32_0 = arith.constant 0 : i32
    %c0_i32_1 = arith.constant 0 : i32
    return %c0_i32, %c0_i32_0 : i32, i32
  }
  func.func @transform_16(%arg0: i32) -> (i32, i32) {
    %c0_i32 = arith.constant 0 : i32
    %c0_i32_0 = arith.constant 0 : i32
    %c0_i32_1 = arith.constant 0 : i32
    return %c0_i32, %c0_i32_0 : i32, i32
  }
  func.func @transform_17(%arg0: i32) -> (i32, i32) {
    %c0_i32 = arith.constant 0 : i32
    %c0_i32_0 = arith.constant 0 : i32
    return %arg0, %c0_i32 : i32, i32
  }
}

</mosaic_0001>

<sc_bundles>
// kernel: kernel.5.cloned.1.call-start
scs
__scs_entry_jumppad:
0x0: {  	(pc) =	sbr.rel $0x88, $3  }
0x1: {  	(tag) =	ssettag $0x0;
	lr =	simm.s32 $0x1  }
0x2: {  	[smem:$0x3F8F] =	sst lr;
	_ =	strace $0xD0000000  }
0x3: {  	_ = 	snop  }
0x4: {  	_ = 	snop  }
0x5: {  	_ = 	snop  }
0x6: {  	_ = 	snop  }
0x7: {  	_ = 	snop  }
__scs_overlays_trampoline_lowered:
0x8: {  	[smem:$0x3F9E] =	sst s0  }
0x9: {  	[smem:$0x3F9F] =	sst s1  }
0xa: {  	[smem:$0x3FA0] =	sst s2  }
0xb: {  	[smem:$0x3FA1] =	sst s3  }
0xc: {  	[smem:$0x3FA2] =	sst s4  }
0xd: {  	[smem:$0x3FA3] =	sst s5  }
0xe: {  	[smem:$0x3FA4] =	sst s6  }
0xf: {  	[smem:$0x3FA5] =	sst s7  }
0x10: {  	[smem:$0x3FA6] =	sst s8  }
0x11: {  	[smem:$0x3FA7] =	sst s9;
	s0 =	simm.s32 @!p0 $0x0  }
0x12: {  	s1 =	sld [smem:$0x3F8D];
	s0 =	simm.s32 @p0 $0x1  }
0x13: {  	[smem:$0x3FA8] =	sst s0;
	s0 =	simm.s32 @!p1 $0x0  }
0x14: {  	s2 =	sld [smem:$0x3F8C];
	s0 =	simm.s32 @p1 $0x1  }
0x15: {  	[smem:$0x3FA9] =	sst s0;
	s0 =	simm.s32 @!p2 $0x0  }
0x16: {  	s3 =	sld [smem:$0x3FDB];
	s0 =	simm.s32 @p2 $0x1  }
0x17: {  	s4 =	simm.s32 $0x1BF5;
	[smem:$0x3FAB] =	sst s0  }
0x18: {  	s0 =	sld [smem:$0x3F8E];
	_ =	swait.ge [sflag:s4], $0x0  }
0x19: {  	s7 =	sld [smem:$0x3F8F]  }
0x1a: {  	s8 =	sadd.s32 $0xFFFFE003, lr  }
0x1b: {  	s9 =	sadd.s32 $0xFFFFFEF7, lr;
	s5 =	simm.s32 $0xFFFFFFFF;
	p2 =	slt.u32 s8, $0xFFFFF086  }
0x1c: {  	p1 =	slt.u32 s9, $0xF7A;
	s5 =	simm.s32 @!p2 $0x0  }
0x1d: {  	s5 =	simm.s32 @p1 $0x1;
	p0 =	seq.s32 s7, s2  }
0x1e: {  	s7 =	smul.u32 @!p0 $0xF7A, s2;
	p2 =	seq.s32 @!p0 s5, $0x0  }
0x1f: {  	s9 =	smul.u32 $0xF7A, s1;
	s8 =	simm.s32 @!p0 $0x1BF5;
	p2 =	por !p2, p0  }
0x20: {  	[sflag:s8] =	ssyncset.s32 @!p0 $0xFFFFF086;
	s6 =	sadd.s32 @!p0 s3, s7;
	s7 =	simm.s32 @!p0 $0x108  }
0x21: {  	s3 =	sadd.s32 s3, s9;
	s6 =	sadd.s32 @!p0 $0x88, s6;
	s7 =	simm.s32 @p2 $0x1082  }
0x22: {  	[simem:s7], [sflag:s8] =	dma.local @!p0 [hbm:s6], $0xF7A  }
0x23: {  	s9 =	sor.u32 $0xD0000000, s2;
	s6 =	simm.s32 $0x108;
	_ =	swait.ge @!p0 [sflag:s8], $0x0  }
0x24: {  	s3 =	sadd.s32 $0x88, s3;
	s6 =	simm.s32 @!p1 $0x1082;
	[sflag:s4] =	ssyncset.s32 $0xFFFFF086  }
0x25: {  	[simem:s6], [sflag:s4] =	dma.local [hbm:s3], $0xF7A  }
0x26: {  	[smem:$0x3F8F] =	sst s1;
	(tag) =	ssettag s2;
	_ =	strace s9  }
0x27: {  	s1 =	sld [smem:$0x3F9F]  }
0x28: {  	s2 =	sld [smem:$0x3FA0]  }
0x29: {  	s4 =	sld [smem:$0x3FA2]  }
0x2a: {  	p0 =	seq.s32 s5, $0x0;
	s5 =	sld [smem:$0x3FA3]  }
0x2b: {  	s6 =	sld [smem:$0x3FA4]  }
0x2c: {  	s7 =	sld [smem:$0x3FA5]  }
0x2d: {  	s3 =	simm.s32 $0x108;
	s8 =	sld [smem:$0x3FA6]  }
0x2e: {  	s3 =	simm.s32 @!p0 $0x1082;
	s9 =	sld [smem:$0x3FA7]  }
0x2f: {  	lr =	sadd.s32 s0, s3;
	s0 =	sld [smem:$0x3F9E]  }
0x30: {  	s3 =	sld [smem:$0x3FA1]  }
0x31: {  	[smem:$0x3FAA] =	sst s10  }
0x32: {  	s10 =	sld [smem:$0x3FA8];
	_ =	sdelay $0x3  }
0x33: {  	p0 =	seq.s32 s10, $0x1;
	s10 =	sld [smem:$0x3FAA];
	_ =	sdelay $0x3  }
0x34: {  	[smem:$0x3FAA] =	sst s10  }
0x35: {  	s10 =	sld [smem:$0x3FA9];
	_ =	sdelay $0x3  }
0x36: {  	p1 =	seq.s32 s10, $0x1;
	s10 =	sld [smem:$0x3FAA];
	_ =	sdelay $0x3  }
0x37: {  	[smem:$0x3FAA] =	sst s10  }
0x38: {  	s10 =	sld [smem:$0x3FAB]  }
0x39: {  	_ = 	snop;
	(pc) =	sbr.ind lr, $3  }
0x3a: {  	_ = 	snop  }
0x3b: {  	_ = 	snop  }
0x3c: {  	p2 =	seq.s32 s10, $0x1;
	s10 =	sld [smem:$0x3FAA]  }
0x3d: {  	_ =	shalt  }
0x3e: {  	_ =	shalt  }
0x3f: {  	_ =	shalt  }
0x40: {  	_ =	shalt  }
0x41: {  	_ =	shalt  }
0x42: {  	_ =	shalt  }
0x43: {  	_ =	shalt  }
0x44: {  	_ =	shalt  }
0x45: {  	_ =	shalt  }
0x46: {  	_ =	shalt  }
0x47: {  	_ =	shalt  }
0x48: {  	_ =	shalt  }
0x49: {  	_ =	shalt  }
0x4a: {  	_ =	shalt  }
0x4b: {  	_ =	shalt  }
0x4c: {  	_ =	shalt  }
0x4d: {  	_ =	shalt  }
0x4e: {  	_ =	shalt  }
0x4f: {  	_ =	shalt  }
0x50: {  	_ =	shalt  }
0x51: {  	_ =	shalt  }
0x52: {  	_ =	shalt  }
0x53: {  	_ =	shalt  }
0x54: {  	_ =	shalt  }
0x55: {  	_ =	shalt  }
0x56: {  	_ =	shalt  }
0x57: {  	_ =	shalt  }
0x58: {  	_ =	shalt  }
0x59: {  	_ =	shalt  }
0x5a: {  	_ =	shalt  }
0x5b: {  	_ =	shalt  }
0x5c: {  	_ =	shalt  }
0x5d: {  	_ =	shalt  }
0x5e: {  	_ =	shalt  }
0x5f: {  	_ =	shalt  }
0x60: {  	_ =	shalt  }
0x61: {  	_ =	shalt  }
0x62: {  	_ =	shalt  }
0x63: {  	_ =	shalt  }
0x64: {  	_ =	shalt  }
0x65: {  	_ =	shalt  }
0x66: {  	_ =	shalt  }
0x67: {  	_ =	shalt  }
0x68: {  	_ =	shalt  }
0x69: {  	_ =	shalt  }
0x6a: {  	_ =	shalt  }
0x6b: {  	_ =	shalt  }
0x6c: {  	_ =	shalt  }
0x6d: {  	_ =	shalt  }
0x6e: {  	_ =	shalt  }
0x6f: {  	_ =	shalt  }
0x70: {  	_ =	shalt  }
0x71: {  	_ =	shalt  }
0x72: {  	_ =	shalt  }
0x73: {  	_ =	shalt  }
0x74: {  	_ =	shalt  }
0x75: {  	_ =	shalt  }
0x76: {  	_ =	shalt  }
0x77: {  	_ =	shalt  }
0x78: {  	_ =	shalt  }
0x79: {  	_ =	shalt  }
0x7a: {  	_ =	shalt  }
0x7b: {  	_ =	shalt  }
0x7c: {  	_ =	shalt  }
0x7d: {  	_ =	shalt  }
0x7e: {  	_ =	shalt  }
0x7f: {  	_ =	shalt  }
0x80: {  	_ =	shalt  }
0x81: {  	_ =	shalt  }
0x82: {  	_ =	shalt  }
0x83: {  	_ =	shalt  }
0x84: {  	_ =	shalt  }
0x85: {  	_ =	shalt  }
0x86: {  	_ =	shalt  }
0x87: {  	_ =	shalt  }
.Lfunc_end0:
.L_simem_size_0:
called_computation_lowered:
.L_overlay_start_0:
0x88: {  	s2 =	sld [smem:$0x3FD9]  }
0x89: {  	s3 =	sld [smem:$0x3FFE];
	_ =	sdelay $0x1  }
0x8a: {  	s1 =	srdreg.scid  }
0x8b: {  	s0 =	sand.u32 $0x1, s1  }
0x8c: {  	s16 =	sshll.u32 s0, $0xA;
	s2 =	sadd.s32 s3, s2  }
0x8d: {  	s2 =	sadd.s32 s2, s16  }
0x8e: {  	[smem:$0x3FB6] =	sst s2  }
0x8f: {  	_ = 	snop  }
0x90: {  	(tm) =	ssettm $0x1  }
0x91: {  	s17 =	sld [smem:$0x3FFB];
	_ =	sdelay $0x3  }
0x92: {  	_ =	strace s17  }
0x93: {  	s2 =	sld [smem:$0x3FFC];
	_ =	sdelay $0x3  }
0x94: {  	_ =	strace s2  }
0x95: {  	s2 =	sld [smem:$0x3FFD];
	_ =	sdelay $0x3  }
0x96: {  	_ =	strace s2  }
0x97: {  	_ =	strace $0x8FFFFFFF  }
0x98: {  	s18 =	sld [smem:$0x3FDB];
	_ =	sdelay $0x1  }
0x99: {  	s19 =	simm.s32 $_scs_section_size  }
0x9a: {  	s4 =	simm.s32 $_size__tile_overlayer_lowered;
	s5 =	simm.s32 $_tile_overlayer_lowered  }
0x9b: {  	s22 =	simm.s32 $0x1BFF;
	s21 =	sshll.u32 s5, $0x1;
	s2 =	sadd.s32 s19, s18  }
0x9c: {  	s6 =	simm.s32 $0x0;
	s20 =	sshll.u32 s4, $0x1;
	s4 =	sadd.s32 s21, s2  }
0x9d: {  	[timem:s6], [sflag:s22] =	dma.local [hbm:s4], s20  }
0x9e: {  	_ =	swait.ge [sflag:s22], s20  }
0x9f: {  	s3 =	ssub.s32 $0x0, s20;
	[sflag:s22] =	ssyncset.done $0x0  }
0xa0: {  	[sflag:s22] =	ssyncadd.s32 s3;
	_ =	sdelay $0x1  }
0xa1: {  	s23 =	simm.s32 $0x1B8B  }
0xa2: {  	_ =	swait.ge [sflag:s23], $0x1  }
0xa3: {  	[sflag:s23] =	ssyncset.done $0x0  }
0xa4: {  	s25 =	simm.s32 $0x1B8E;
	s24 =	sld [smem:$0x3FFE];
	[sflag:s23] =	ssyncadd.s32 $0xFFFFFFFF  }
0xa5: {  	s26 =	simm.s32 $execute0_lowered;
	[smem:$0x3FD2] =	sst s25  }
0xa6: {  	s4 =	sshll.u32 s26, $0x1;
	_ =	strace $0x80000046;
	[dreg:$0x1] =	wrdreg $0xFFFFFFFF  }
0xa7: {  	s28 =	simm.s32 $_size_execute0_lowered;
	s2 =	sadd.s32 s2, s4;
	[dreg:$0x0] =	wrdreg $0x0  }
0xa8: {  	s4 =	sshll.u32 s28, $0x1;
	[dreg:$0x2] =	wrdreg s2  }
0xa9: {  	[dreg:$0x3] =	wrdreg s4  }
0xaa: {  	[dreg:$0x4] =	wrdreg $0xC0  }
0xab: {  	_ =	task [dreg:s6], $0x5FFFF  }
0xac: {  	[dreg:$0x1] =	wrdreg $0xFFFFFFFF  }
0xad: {  	[dreg:$0x0] =	wrdreg $0x60  }
0xae: {  	[dreg:$0x2] =	wrdreg s24  }
0xaf: {  	[dreg:$0x3] =	wrdreg $0x9  }
0xb0: {  	_ =	task.clear_ibuf [dreg:s6], $0x4FFFF;
	_ =	strace $0x90000046  }
0xb1: {  	s29 =	simm.s32 $0x9;
	_ =	strace $0x80000048  }
0xb2: {  	_ =	swait.ge [sflag:s29], $0x1  }
0xb3: {  	[sflag:s29] =	ssyncadd.s32 $0xFFFFFFFF  }
0xb4: {  	_ =	strace $0x90000048  }
0xb5: {  	_ =	sfence  }
0xb6: {  	s30 =	sld [smem:$0x0];
	_ =	sdelay $0x2  }
0xb7: {  	s31 =	sshll.u32 s1, $0xD;
	s1 =	sshrl.u32 s1, $0x2  }
0xb8: {  	s3 =	sand.u32 $0x4000, s31;
	s1 =	sadd.s32 s1, s30  }
0xb9: {  	s0 =	sor.u32 s3, s0;
	s1 =	sshll.u32 s1, $0x11  }
0xba: {  	s0 =	sor.u32 s1, s0  }
0xbb: {  	s0 =	sadd.s32 $0x8F2B, s0  }
0xbc: {  	[sflag:s0] =	ssyncadd.remote.s32 $0x1  }
0xbd: {  	_ =	sfence.sel $0xFFFF  }
0xbe: {  	[dreg:$0x0] =	wrdreg $0xFFFFFFFF;
	(pc) =	sbr.abs _section_cstart, $3  }
0xbf: {  	[dreg:$0x1] =	wrdreg $0xFFFFFFFF  }
0xc0: {  	_ =	task.clear_ibuf [dreg:s6], $0x2FFFF;
	_ =	strace $0x9FFFFFFF  }
0xc1: {  	(tm) =	ssettm $0x7FFFFFFF  }
tec
execute0_lowered:
.L_overlay_start_1:
0x0: {  	(tag) =	ssettag $0x1  }
0x1: {  	s4 =	rddreg [dreg:$0x0]  }
0x2: {  	s0 =	rddreg [dreg:$0x1];
	s2 =	srdreg.scid  }
0x3: {  	s1 =	stileid.u32;
	s9 =	simm.s32 $0x3400;
	s10 =	simm.s32 $0x3C00  }
0x4: {  	s11 =	simm.s32 $0x4400;
	s12 =	simm.s32 $0x4C00;
	s13 =	simm.s32 $0x5400  }
0x5: {  	s14 =	simm.s32 $0x5C00;
	s15 =	simm.s32 $0x6400;
	s16 =	simm.s32 $0x6C00  }
0x6: {  	s17 =	simm.s32 $0x1;
	s18 =	simm.s32 $0x0;
	s3 =	sand.u32 $0x1, s2  }
0x7: {  	s5 =	sshll.u32 s1, $0x1;
	s6 =	smul.u32 $0x68000, s1;
	s2 =	simm.s32 $0x0  }
0x8: {  	s5 =	sor.u32 s3, s5;
	s7 =	smul.u32 $0x34000, s3;
	[smem:$0x7FF] =	sst s2  }
0x9: {  	s31 =	ssub.s32 $0x2, s3;
	s3 =	sadd.s32 $0x2400, s4;
	s5 =	smul.u32 $0x680, s5  }
0xa: {  	_ =	strace $0x80000047;
	s8 =	sshrl.u32 s31, $0x1;
	s6 =	sadd.s32 s7, s6  }
0xb: {  	s7 =	ssub.s32 s31, s8;
	s5 =	sadd.s32 s5, s4;
	s6 =	sshrl.u32 s6, $0x3  }
0xc: {  	s8 =	simm.s32 $0x80;
	s6 =	sadd.s32 s6, s4;
	s4 =	sadd.s32 $0x502400, s5  }
0xd: {  	s5 =	smax.u32 s7, $0x1;
	s7 =	simm.s32 $0x2;
	s6 =	sadd.s32 $0x50F400, s6  }
.LBB2_1:
0xe: {  	[tilespmem:s2], [sflag:$0x2] =	stream.linear.gather [hbm4b:s4+s2], $0x3400, $0x38;
	[tilespmem:$0x7400] =	vst v63  }
0xf: {  	_ =	swait.ge [sflag:s7], $0x3400  }
0x10: {  	[sflag:s7] =	ssyncset.done $0x0  }
0x11: {  	s19 =	simm.s32 $0x0;
	[sflag:s7] =	ssyncadd.s32 $0xFFFFCC00  }
0x12: {  	[tilespmem:s9], [sflag:$0x1] =	stream.indirect.gather [hbm4b:s3+s8], $0x10, s19, s8, $0xb8;
	[tilespmem:$0x7400] =	vst v63  }
0x13: {  	s24 =	simm.s32 $0x80  }
0x14: {  	[tilespmem:s10], [sflag:$0x1] =	stream.indirect.gather [hbm4b:s3+s8], $0x10, s24, s8, $0xb8;
	[tilespmem:$0x7400] =	vst v63  }
0x15: {  	s25 =	simm.s32 $0x100  }
0x16: {  	[tilespmem:s11], [sflag:$0x1] =	stream.indirect.gather [hbm4b:s3+s8], $0x10, s25, s8, $0xb8;
	[tilespmem:$0x7400] =	vst v63  }
0x17: {  	s26 =	simm.s32 $0x180  }
0x18: {  	[tilespmem:s12], [sflag:$0x1] =	stream.indirect.gather [hbm4b:s3+s8], $0x10, s26, s8, $0xb8;
	[tilespmem:$0x7400] =	vst v63  }
0x19: {  	s28 =	simm.s32 $0x200  }
0x1a: {  	[tilespmem:s13], [sflag:$0x1] =	stream.indirect.gather [hbm4b:s3+s8], $0x10, s28, s8, $0xb8;
	[tilespmem:$0x7400] =	vst v63  }
0x1b: {  	s29 =	simm.s32 $0x280  }
0x1c: {  	[tilespmem:s14], [sflag:$0x1] =	stream.indirect.gather [hbm4b:s3+s8], $0x10, s29, s8, $0xb8;
	[tilespmem:$0x7400] =	vst v63  }
0x1d: {  	s30 =	simm.s32 $0x300  }
0x1e: {  	[tilespmem:s15], [sflag:$0x1] =	stream.indirect.gather [hbm4b:s3+s8], $0x10, s30, s8, $0xb8;
	[tilespmem:$0x7400] =	vst v63  }
0x1f: {  	s31 =	simm.s32 $0x380  }
0x20: {  	[tilespmem:s16], [sflag:$0x1] =	stream.indirect.gather [hbm4b:s3+s8], $0x10, s31, s8, $0xb8;
	[tilespmem:$0x7400] =	vst v63  }
0x21: {  	_ =	swait.ge [sflag:s17], $0x800  }
0x22: {  	[sflag:s17] =	ssyncset.done $0x0  }
0x23: {  	[sflag:s17] =	ssyncadd.s32 $0xFFFFF800  }
0x24: {  	_ =	swait.ge [sflag:s17], $0x800  }
0x25: {  	[sflag:s17] =	ssyncset.done $0x0  }
0x26: {  	[sflag:s17] =	ssyncadd.s32 $0xFFFFF800  }
0x27: {  	_ =	swait.ge [sflag:s17], $0x800  }
0x28: {  	[sflag:s17] =	ssyncset.done $0x0  }
0x29: {  	[sflag:s17] =	ssyncadd.s32 $0xFFFFF800  }
0x2a: {  	_ =	swait.ge [sflag:s17], $0x800  }
0x2b: {  	[sflag:s17] =	ssyncset.done $0x0  }
0x2c: {  	[sflag:s17] =	ssyncadd.s32 $0xFFFFF800  }
0x2d: {  	_ =	swait.ge [sflag:s17], $0x800  }
0x2e: {  	[sflag:s17] =	ssyncset.done $0x0  }
0x2f: {  	[sflag:s17] =	ssyncadd.s32 $0xFFFFF800  }
0x30: {  	_ =	swait.ge [sflag:s17], $0x800  }
0x31: {  	[sflag:s17] =	ssyncset.done $0x0  }
0x32: {  	[sflag:s17] =	ssyncadd.s32 $0xFFFFF800  }
0x33: {  	_ =	swait.ge [sflag:s17], $0x800  }
0x34: {  	[sflag:s17] =	ssyncset.done $0x0  }
0x35: {  	[sflag:s17] =	ssyncadd.s32 $0xFFFFF800  }
0x36: {  	_ =	swait.ge [sflag:s17], $0x800  }
0x37: {  	[sflag:s17] =	ssyncset.done $0x0  }
0x38: {  	[sflag:s17] =	ssyncadd.s32 $0xFFFFF800  }
0x39: {  	[hbm4b:s6+s2] =	stream.linear.scatter [tilespmem:s9], [sflag:$0x2], $0x4000, $0x38;
	[tilespmem:$0x7400] =	vst v63  }
0x3a: {  	s20 =	simm.s32 $0x1000;
	_ =	swait.ge [sflag:s7], $0x4000  }
0x3b: {  	s22 =	simm.s32 $0x2000;
	s19 =	sadd.s32 $0x800, s6;
	[sflag:s7] =	ssyncset.done $0x0  }
.LBB2_2:
0x3c: {  	s23 =	sshra.s32 s20, $0x2  }
0x3d: {  	[sflag:s7] =	ssyncadd.s32 $0xFFFFC000;
	s20 =	smov.u32 s22;
	s21 =	sadd.s32 $0x1000, s22  }
0x3e: {  	[tilespmem:s9], [sflag:$0x1] =	stream.indirect.gather [hbm4b:s3+s8], $0x10, s23, s8, $0xb8;
	[tilespmem:$0x7400] =	vst v63  }
0x3f: {  	p0 =	sne.s32 s22, $0xC000;
	s22 =	sadd.s32 $0x80, s23  }
0x40: {  	[tilespmem:s10], [sflag:$0x1] =	stream.indirect.gather [hbm4b:s3+s8], $0x10, s22, s8, $0xb8;
	[tilespmem:$0x7400] =	vst v63  }
0x41: {  	s22 =	sadd.s32 $0x100, s23  }
0x42: {  	[tilespmem:s11], [sflag:$0x1] =	stream.indirect.gather [hbm4b:s3+s8], $0x10, s22, s8, $0xb8;
	[tilespmem:$0x7400] =	vst v63  }
0x43: {  	s22 =	sadd.s32 $0x180, s23  }
0x44: {  	[tilespmem:s12], [sflag:$0x1] =	stream.indirect.gather [hbm4b:s3+s8], $0x10, s22, s8, $0xb8;
	[tilespmem:$0x7400] =	vst v63  }
0x45: {  	s22 =	sadd.s32 $0x200, s23  }
0x46: {  	[tilespmem:s13], [sflag:$0x1] =	stream.indirect.gather [hbm4b:s3+s8], $0x10, s22, s8, $0xb8;
	[tilespmem:$0x7400] =	vst v63  }
0x47: {  	s22 =	sadd.s32 $0x280, s23  }
0x48: {  	[tilespmem:s14], [sflag:$0x1] =	stream.indirect.gather [hbm4b:s3+s8], $0x10, s22, s8, $0xb8;
	[tilespmem:$0x7400] =	vst v63  }
0x49: {  	s22 =	sadd.s32 $0x300, s23  }
0x4a: {  	[tilespmem:s15], [sflag:$0x1] =	stream.indirect.gather [hbm4b:s3+s8], $0x10, s22, s8, $0xb8;
	[tilespmem:$0x7400] =	vst v63  }
0x4b: {  	s22 =	sadd.s32 $0x380, s23  }
0x4c: {  	[tilespmem:s16], [sflag:$0x1] =	stream.indirect.gather [hbm4b:s3+s8], $0x10, s22, s8, $0xb8;
	[tilespmem:$0x7400] =	vst v63  }
0x4d: {  	_ =	swait.ge [sflag:s17], $0x800  }
0x4e: {  	[sflag:s17] =	ssyncset.done $0x0  }
0x4f: {  	[sflag:s17] =	ssyncadd.s32 $0xFFFFF800  }
0x50: {  	_ =	swait.ge [sflag:s17], $0x800  }
0x51: {  	[sflag:s17] =	ssyncset.done $0x0  }
0x52: {  	[sflag:s17] =	ssyncadd.s32 $0xFFFFF800  }
0x53: {  	_ =	swait.ge [sflag:s17], $0x800  }
0x54: {  	[sflag:s17] =	ssyncset.done $0x0  }
0x55: {  	[sflag:s17] =	ssyncadd.s32 $0xFFFFF800  }
0x56: {  	_ =	swait.ge [sflag:s17], $0x800  }
0x57: {  	[sflag:s17] =	ssyncset.done $0x0  }
0x58: {  	[sflag:s17] =	ssyncadd.s32 $0xFFFFF800  }
0x59: {  	_ =	swait.ge [sflag:s17], $0x800  }
0x5a: {  	[sflag:s17] =	ssyncset.done $0x0  }
0x5b: {  	[sflag:s17] =	ssyncadd.s32 $0xFFFFF800  }
0x5c: {  	_ =	swait.ge [sflag:s17], $0x800  }
0x5d: {  	[sflag:s17] =	ssyncset.done $0x0  }
0x5e: {  	[sflag:s17] =	ssyncadd.s32 $0xFFFFF800  }
0x5f: {  	_ =	swait.ge [sflag:s17], $0x800  }
0x60: {  	[sflag:s17] =	ssyncset.done $0x0  }
0x61: {  	[sflag:s17] =	ssyncadd.s32 $0xFFFFF800  }
0x62: {  	_ =	swait.ge [sflag:s17], $0x800  }
.Ltmp0:
0x63: {  	[sflag:s17] =	ssyncset.done $0x0;
	(pc) =	sbr.rel @p0 .LBB2_2-.Ltmp0, $4  }
0x64: {  	[sflag:s17] =	ssyncadd.s32 $0xFFFFF800  }
0x65: {  	[hbm4b:s19+s2] =	stream.linear.scatter [tilespmem:s9], [sflag:$0x2], $0x4000, $0x38;
	[tilespmem:$0x7400] =	vst v63  }
0x66: {  	_ =	swait.ge [sflag:s7], $0x4000  }
0x67: {  	s22 =	smov.u32 s21;
	s19 =	sadd.s32 $0x800, s19;
	[sflag:s7] =	ssyncset.done $0x0  }
0x68: {  	s20 =	sshra.s32 s20, $0x2;
	[sflag:s7] =	ssyncadd.s32 $0xFFFFC000  }
0x69: {  	[tilespmem:s9], [sflag:$0x1] =	stream.indirect.gather [hbm4b:s3+s8], $0x10, s20, s8, $0xb8;
	[tilespmem:$0x7400] =	vst v63  }
0x6a: {  	s21 =	sadd.s32 $0x80, s20  }
0x6b: {  	[tilespmem:s10], [sflag:$0x1] =	stream.indirect.gather [hbm4b:s3+s8], $0x10, s21, s8, $0xb8;
	[tilespmem:$0x7400] =	vst v63  }
0x6c: {  	s26 =	sadd.s32 $0x100, s20  }
0x6d: {  	[tilespmem:s11], [sflag:$0x1] =	stream.indirect.gather [hbm4b:s3+s8], $0x10, s26, s8, $0xb8;
	[tilespmem:$0x7400] =	vst v63  }
0x6e: {  	s28 =	sadd.s32 $0x180, s20  }
0x6f: {  	[tilespmem:s12], [sflag:$0x1] =	stream.indirect.gather [hbm4b:s3+s8], $0x10, s28, s8, $0xb8;
	[tilespmem:$0x7400] =	vst v63  }
0x70: {  	s29 =	sadd.s32 $0x200, s20  }
0x71: {  	[tilespmem:s13], [sflag:$0x1] =	stream.indirect.gather [hbm4b:s3+s8], $0x10, s29, s8, $0xb8;
	[tilespmem:$0x7400] =	vst v63  }
0x72: {  	s30 =	sadd.s32 $0x280, s20  }
0x73: {  	[tilespmem:s14], [sflag:$0x1] =	stream.indirect.gather [hbm4b:s3+s8], $0x10, s30, s8, $0xb8;
	[tilespmem:$0x7400] =	vst v63  }
0x74: {  	s31 =	sadd.s32 $0x300, s20  }
0x75: {  	[tilespmem:s15], [sflag:$0x1] =	stream.indirect.gather [hbm4b:s3+s8], $0x10, s31, s8, $0xb8;
	[tilespmem:$0x7400] =	vst v63  }
0x76: {  	s20 =	sadd.s32 $0x380, s20  }
0x77: {  	[tilespmem:s16], [sflag:$0x1] =	stream.indirect.gather [hbm4b:s3+s8], $0x10, s20, s8, $0xb8;
	[tilespmem:$0x7400] =	vst v63  }
0x78: {  	_ =	swait.ge [sflag:s17], $0x800  }
0x79: {  	[sflag:s17] =	ssyncset.done $0x0  }
0x7a: {  	[sflag:s17] =	ssyncadd.s32 $0xFFFFF800  }
0x7b: {  	_ =	swait.ge [sflag:s17], $0x800  }
0x7c: {  	[sflag:s17] =	ssyncset.done $0x0  }
0x7d: {  	[sflag:s17] =	ssyncadd.s32 $0xFFFFF800  }
0x7e: {  	_ =	swait.ge [sflag:s17], $0x800  }
0x7f: {  	[sflag:s17] =	ssyncset.done $0x0  }
0x80: {  	[sflag:s17] =	ssyncadd.s32 $0xFFFFF800  }
0x81: {  	_ =	swait.ge [sflag:s17], $0x800  }
0x82: {  	[sflag:s17] =	ssyncset.done $0x0  }
0x83: {  	[sflag:s17] =	ssyncadd.s32 $0xFFFFF800  }
0x84: {  	_ =	swait.ge [sflag:s17], $0x800  }
0x85: {  	[sflag:s17] =	ssyncset.done $0x0  }
0x86: {  	[sflag:s17] =	ssyncadd.s32 $0xFFFFF800  }
0x87: {  	_ =	swait.ge [sflag:s17], $0x800  }
0x88: {  	[sflag:s17] =	ssyncset.done $0x0  }
0x89: {  	[sflag:s17] =	ssyncadd.s32 $0xFFFFF800  }
0x8a: {  	_ =	swait.ge [sflag:s17], $0x800  }
0x8b: {  	[sflag:s17] =	ssyncset.done $0x0  }
0x8c: {  	[sflag:s17] =	ssyncadd.s32 $0xFFFFF800  }
0x8d: {  	s18 =	sadd.s32 $0x1, s18;
	_ =	swait.ge [sflag:s17], $0x800  }
0x8e: {  	p0 =	sne.s32 s18, s5;
	[sflag:s17] =	ssyncset.done $0x0  }
.Ltmp1:
0x8f: {  	[sflag:s17] =	ssyncadd.s32 $0xFFFFF800;
	(pc) =	sbr.rel @p0 .LBB2_1-.Ltmp1, $4  }
0x90: {  	[hbm4b:s19+s2] =	stream.linear.scatter [tilespmem:s9], [sflag:$0x2], $0x4000, $0x38;
	[tilespmem:$0x7400] =	vst v63  }
0x91: {  	_ =	swait.ge [sflag:s7], $0x4000  }
0x92: {  	[sflag:s7] =	ssyncset.done $0x0  }
0x93: {  	[sflag:s7] =	ssyncadd.s32 $0xFFFFC000  }
0x94: {  	_ =	sfence.sel $0x180000  }
0x95: {  	[bflag:$0x0] =	sbarrier.arrive $0xFFFF  }
0x96: {  	p0 =	sne.s32 s1, $0x0;
	_ =	strace $0x90000047  }
0x97: {  	s0 =	sadd.s32 @!p0 $0x100000, s0;
	[bflag:$0x2] =	sbarrier.arrive $0xFFFF  }
0x98: {  	[sflag:s0] =	ssyncadd.tile.s32 @!p0 $0x1;
	_ =	shalt  }
.Lfunc_end2:
_tile_overlayer_lowered:
.L_overlay_start_2:
0x99: {  	(tag) =	ssettag $0x2  }
0x9a: {  	s0 =	rddreg [dreg:$0x0];
	s2 =	stileid.u32  }
0x9b: {  	s1 =	rddreg [dreg:$0x1];
	p0 =	sne.s32 s2, $0x0  }
0x9c: {  	s3 =	rddreg [dreg:$0x2];
	[bflag:$0x3] =	sbarrier.arrive $0xFFFF;
	s2 =	simm.s32 @!p0 $0x1C02  }
0x9d: {  	[timem:s3], [sflag:s2] =	dma.local @!p0 [hbm:s0], s1  }
0x9e: {  	s0 =	simm.s32 @!p0 $0x2  }
0x9f: {  	_ =	swait.ge @!p0 [sflag:s0], s1  }
0xa0: {  	s1 =	ssub.s32 @!p0 $0x0, s1;
	[sflag:s0] =	ssyncset.done @!p0 $0x0  }
0xa1: {  	[sflag:s0] =	ssyncadd.s32 @!p0 s1  }
0xa2: {  	[bflag:$0x3] =	sbarrier.arrive $0xFFFF  }
0xa3: {  	_ =	shalt  }

</sc_bundles>
